<compile_context>
chip_gen: v7x
topology: tpu7x:2x2x1
jax: 0.10.2.dev20260603
libtpu: 0.0.44.dev20260713+nightly
codegen_flags: <defaults>
</compile_context>

<pallas_src>
import functools

import jax
import jax.numpy as jnp
from jax import lax
from jax.experimental import pallas as pl
from jax.experimental.pallas import tpu as pltpu
from jax.experimental.pallas import tpu_sc as plsc

N = 10000
E = 320000
D_IN = 128
D_HID = 256
D_OUT = 128
DF = 128

NC = 2
NS = 16
B = 128
E_PAD = 327680
NBD = E_PAD // (NC * NS) // B
N_PAD = 10240
PT = N_PAD // NS

_f32 = jnp.float32
_bf16 = jnp.bfloat16
_SC_PARAMS = pltpu.CompilerParams(use_tc_tiling_on_sc=False)


def _sc_mesh():
    return plsc.VectorSubcoreMesh(
        core_axis_name="c", subcore_axis_name="s", num_cores=NC, num_subcores=NS
    )


def _make_deg_kernel():
    @functools.partial(
        pl.kernel,
        out_type=jax.ShapeDtypeStruct((NC, N_PAD, 16), _f32),
        mesh=_sc_mesh(),
        compiler_params=_SC_PARAMS,
        scratch_types=[
            pltpu.VMEM((NBD, B), jnp.int32),
            pltpu.VMEM((B, 16), _f32),
            pltpu.VMEM_SHARED((N_PAD, 16), _f32),
        ],
    )
    def deg_kernel(dst4, ones_hbm, zeros_hbm, out, idxd, ones_v, acc):
        c = lax.axis_index("c")
        s = lax.axis_index("s")
        pltpu.sync_copy(dst4.at[c, s], idxd)
        pltpu.sync_copy(ones_hbm, ones_v)
        pltpu.sync_copy(zeros_hbm, acc.at[pl.ds(s * PT, PT)])
        plsc.subcore_barrier()

        def body(j, carry):
            pltpu.sync_copy(ones_v, acc.at[idxd.at[j]], add=True)
            return carry

        lax.fori_loop(0, NBD, body, 0)
        plsc.subcore_barrier()
        pltpu.sync_copy(acc.at[pl.ds(s * PT, PT)], out.at[c, pl.ds(s * PT, PT)])

    return deg_kernel


NBUF = 4


def _make_agg_kernel():
    @functools.partial(
        pl.kernel,
        out_type=jax.ShapeDtypeStruct((NC, N_PAD, DF), _bf16),
        mesh=_sc_mesh(),
        compiler_params=_SC_PARAMS,
        scratch_types=[
            pltpu.VMEM((NBD, B), jnp.int32),
            pltpu.VMEM((NBD, B), jnp.int32),
            [pltpu.VMEM((B, DF), _bf16) for _ in range(NBUF)],
            [pltpu.SemaphoreType.DMA for _ in range(NBUF)],
            [pltpu.SemaphoreType.DMA for _ in range(NBUF)],
            pltpu.VMEM_SHARED((N_PAD, DF), _bf16),
        ],
    )
    def agg_kernel(ytab, srcp, dstp, zrows, out, idxs, idxd, rv, gs, ss, acc):
        c = lax.axis_index("c")
        s = lax.axis_index("s")
        pltpu.sync_copy(srcp.at[c, s], idxs)
        pltpu.sync_copy(dstp.at[c, s], idxd)
        pltpu.sync_copy(zrows, acc.at[pl.ds(s * PT, PT)])
        plsc.subcore_barrier()

        for b in range(NBUF):
            pltpu.async_copy(ytab.at[idxs.at[b]], rv[b], gs[b])

        def body(t, carry):
            j0 = t * NBUF
            for b in range(NBUF):
                pltpu.make_async_copy(ytab.at[idxs.at[j0 + b]], rv[b], gs[b]).wait()
                pltpu.make_async_copy(rv[b], acc.at[idxd.at[j0 + b]], ss[b]).start(
                    add=True
                )
            for b in range(NBUF):

                @pl.when(j0 + b + NBUF < NBD)
                def _():
                    pltpu.make_async_copy(rv[b], acc.at[idxd.at[j0 + b]], ss[b]).wait()
                    pltpu.async_copy(ytab.at[idxs.at[j0 + b + NBUF]], rv[b], gs[b])

            return carry

        lax.fori_loop(0, NBD // NBUF, body, 0)
        for b in range(NBUF):
            pltpu.make_async_copy(rv[b], acc.at[idxd.at[NBD - NBUF + b]], ss[b]).wait()
        plsc.subcore_barrier()
        pltpu.sync_copy(acc.at[pl.ds(s * PT, PT)], out.at[c, pl.ds(s * PT, PT)])

    return agg_kernel


TR = 1000
NG = N // TR


def _dinv_block(degp_ref):
    deg = degp_ref[0, :, 0:1] + degp_ref[1, :, 0:1] + 1.0
    return lax.rsqrt(deg)


def _tc1_body(x_ref, degp_ref, out_ref):
    dinv = _dinv_block(degp_ref)
    out_ref[...] = (x_ref[...] * dinv).astype(_bf16)


def _tc2_body(agg_ref, utab_ref, degp_ref, b1_ref, w1_ref, w2_ref, out_ref):
    dinv = _dinv_block(degp_ref)
    z = (
        agg_ref[0].astype(_f32)
        + agg_ref[1].astype(_f32)
        + utab_ref[...].astype(_f32)
    )
    w = dinv * z
    h = jnp.maximum(
        jnp.dot(w, w1_ref[...], preferred_element_type=_f32) + b1_ref[0, :], 0.0
    )
    y2 = jnp.dot(h, w2_ref[...], preferred_element_type=_f32) * dinv
    out_ref[...] = y2.astype(_bf16)


def _tc3_body(agg_ref, ytab_ref, degp_ref, b2_ref, out_ref):
    dinv = _dinv_block(degp_ref)
    z = (
        agg_ref[0].astype(_f32)
        + agg_ref[1].astype(_f32)
        + ytab_ref[...].astype(_f32)
    )
    out_ref[...] = dinv * z + b2_ref[0, :]


def _tc1(x, degp):
    return pl.pallas_call(
        _tc1_body,
        grid=(NG,),
        in_specs=[
            pl.BlockSpec((TR, D_IN), lambda i: (i, 0)),
            pl.BlockSpec((NC, TR, 16), lambda i: (0, i, 0)),
        ],
        out_specs=pl.BlockSpec((TR, DF), lambda i: (i, 0)),
        out_shape=jax.ShapeDtypeStruct((N_PAD, DF), _bf16),
    )(x, degp)


def _tc2(agg1, utab, degp, b1, W1, W2):
    return pl.pallas_call(
        _tc2_body,
        grid=(NG,),
        in_specs=[
            pl.BlockSpec((NC, TR, DF), lambda i: (0, i, 0)),
            pl.BlockSpec((TR, DF), lambda i: (i, 0)),
            pl.BlockSpec((NC, TR, 16), lambda i: (0, i, 0)),
            pl.BlockSpec((1, D_HID), lambda i: (0, 0)),
            pl.BlockSpec((D_IN, D_HID), lambda i: (0, 0)),
            pl.BlockSpec((D_HID, D_OUT), lambda i: (0, 0)),
        ],
        out_specs=pl.BlockSpec((TR, DF), lambda i: (i, 0)),
        out_shape=jax.ShapeDtypeStruct((N_PAD, DF), _bf16),
    )(agg1, utab, degp, b1, W1, W2)


def _tc3(agg2, ytab2, degp, b2):
    return pl.pallas_call(
        _tc3_body,
        grid=(NG,),
        in_specs=[
            pl.BlockSpec((NC, TR, DF), lambda i: (0, i, 0)),
            pl.BlockSpec((TR, DF), lambda i: (i, 0)),
            pl.BlockSpec((NC, TR, 16), lambda i: (0, i, 0)),
            pl.BlockSpec((1, D_OUT), lambda i: (0, 0)),
        ],
        out_specs=pl.BlockSpec((TR, D_OUT), lambda i: (i, 0)),
        out_shape=jax.ShapeDtypeStruct((N, D_OUT), _f32),
    )(agg2, ytab2, degp, b2)


def kernel(x, edge_index, W1, b1, W2, b2):
    src = edge_index[0].astype(jnp.int32)
    dst = edge_index[1].astype(jnp.int32)

    pad = E_PAD - E
    srcp = jnp.concatenate([src, jnp.zeros((pad,), jnp.int32)]).reshape(NC, NS, NBD, B)
    pad_dst = N + jnp.arange(pad, dtype=jnp.int32) % (N_PAD - N)
    dstp = jnp.concatenate([dst, pad_dst]).reshape(NC, NS, NBD, B)

    ones16 = jnp.ones((B, 16), _f32)
    zeros16 = jnp.zeros((PT, 16), _f32)
    zrows = jnp.zeros((PT, DF), _bf16)

    degp = _make_deg_kernel()(dstp, ones16, zeros16)
    utab = _tc1(x, degp)
    agg1 = _make_agg_kernel()(utab, srcp, dstp, zrows)
    ytab2 = _tc2(agg1, utab, degp, b1.reshape(1, D_HID), W1, W2)
    agg2 = _make_agg_kernel()(ytab2, srcp, dstp, zrows)
    return _tc3(agg2, ytab2, degp, b2.reshape(1, D_OUT))

# --- scband reference (transcript-rebuilt; emitter-appended) ---
"""Pipeline reference for scband-gcnencoder-67765993997191 (READ-ONLY COPY).

The authoritative reference and input builder live on the scoring server;
editing this copy changes nothing except your own understanding.
"""

import jax, jax.numpy as jnp
import numpy as np

N = 10000
E = 320000
D_IN = 128
D_OUT = 128
D_HID = 2 * D_OUT


def setup_inputs(seed: int = 0) -> dict:
    key = jax.random.key(seed)
    ks = jax.random.split(key, 6)
    x = jax.random.normal(ks[0], (N, D_IN), dtype=jnp.float32)
    edge_index = jax.random.randint(ks[1], (2, E), 0, N, dtype=jnp.int32)
    W1 = jax.random.normal(ks[2], (D_IN, D_HID), dtype=jnp.float32) * (1.0 / np.sqrt(D_IN))
    b1 = jnp.zeros((D_HID,), dtype=jnp.float32)
    W2 = jax.random.normal(ks[3], (D_HID, D_OUT), dtype=jnp.float32) * (1.0 / np.sqrt(D_HID))
    b2 = jnp.zeros((D_OUT,), dtype=jnp.float32)
    return {"x": x, "edge_index": edge_index, "W1": W1, "b1": b1, "W2": W2, "b2": b2}


def _gcn_norm(edge_index):
    # add self loops and compute symmetric normalization D^-1/2 (A+I) D^-1/2
    loop = jnp.arange(N, dtype=edge_index.dtype)
    src = jnp.concatenate([edge_index[0], loop])
    dst = jnp.concatenate([edge_index[1], loop])
    deg = jax.ops.segment_sum(jnp.ones(src.shape[0], dtype=jnp.float32), dst, num_segments=N)
    dinv = jnp.where(deg > 0, jax.lax.rsqrt(jnp.maximum(deg, 1e-12)), 0.0)
    norm = dinv[src] * dinv[dst]
    return src, dst, norm


def _gcn_conv(x, src, dst, norm, W, b):
    xw = x @ W
    msg = jnp.take(xw, src, axis=0) * norm[:, None]
    out = jax.ops.segment_sum(msg, dst, num_segments=N)
    return out + b


def reference(x, edge_index, W1, b1, W2, b2):
    src, dst, norm = _gcn_norm(edge_index)
    h = _gcn_conv(x, src, dst, norm, W1, b1)
    h = jax.nn.relu(h)
    out = _gcn_conv(h, src, dst, norm, W2, b2)
    return out

if __name__ == "__main__":
    import jax
    _d = setup_inputs()
    print(jax.jit(kernel)(*tuple(_d.values())))

</pallas_src>

<mosaic_0001>
#map = affine_map<(d0, d1) -> (0, 0)>
#map1 = affine_map<(d0, d1) -> (0, 0, 0, 0)>
#map2 = affine_map<(d0, d1) -> (0, 0, 0)>
module attributes {stable_mosaic.version = 14 : i64} {
  func.func @agg_kernel(%arg0: i32, %arg1: i32, %arg2: memref<10240x128xbf16, #tpu.memory_space<hbm>>, %arg3: memref<2x16x80x128xi32, #tpu.memory_space<hbm>>, %arg4: memref<2x16x80x128xi32, #tpu.memory_space<hbm>>, %arg5: memref<640x128xbf16, #tpu.memory_space<hbm>>, %arg6: memref<2x10240x128xbf16, #tpu.memory_space<hbm>>, %arg7: memref<80x128xi32, #tpu.memory_space<vmem>>, %arg8: memref<80x128xi32, #tpu.memory_space<vmem>>, %arg9: memref<128x128xbf16, #tpu.memory_space<vmem>>, %arg10: memref<128x128xbf16, #tpu.memory_space<vmem>>, %arg11: memref<128x128xbf16, #tpu.memory_space<vmem>>, %arg12: memref<128x128xbf16, #tpu.memory_space<vmem>>, %arg13: memref<!tpu.dma_semaphore, #tpu.memory_space<semaphore_mem>>, %arg14: memref<!tpu.dma_semaphore, #tpu.memory_space<semaphore_mem>>, %arg15: memref<!tpu.dma_semaphore, #tpu.memory_space<semaphore_mem>>, %arg16: memref<!tpu.dma_semaphore, #tpu.memory_space<semaphore_mem>>, %arg17: memref<!tpu.dma_semaphore, #tpu.memory_space<semaphore_mem>>, %arg18: memref<!tpu.dma_semaphore, #tpu.memory_space<semaphore_mem>>, %arg19: memref<!tpu.dma_semaphore, #tpu.memory_space<semaphore_mem>>, %arg20: memref<!tpu.dma_semaphore, #tpu.memory_space<semaphore_mem>>, %arg21: memref<10240x128xbf16, #tpu.memory_space<vmem_shared>>) attributes {dimension_semantics = [#tpu.dimension_semantics<core_parallel>, #tpu.dimension_semantics<subcore_parallel>], iteration_bounds = array<i64: 2, 16>, scalar_prefetch = 0 : i64, scratch_operands = 15 : i64, tpu.core_type = #tpu.core_type<sc_vector_subcore>, window_params = [{transform_indices = #map}, {transform_indices = #map1}, {transform_indices = #map1}, {transform_indices = #map}, {transform_indices = #map2}]} {
    "tpu.region"() ({
      %run_scoped3A = tpu.sem_alloc : memref<!tpu.dma_semaphore, #tpu.memory_space<semaphore_mem>>
      %dma_start3A_65 = arith.constant 0 : i32
      %dma_start3A_66 = arith.constant 0 : i32
      %dma_start3A_67 = tpu.memref_slice %arg3[%arg0, %arg1, %dma_start3A_65, %dma_start3A_66] : memref<2x16x80x128xi32, #tpu.memory_space<hbm>> -> memref<1x1x80x128xi32, #tpu.memory_space<hbm>>
      %dma_start3A_68 = tpu.memref_squeeze %dma_start3A_67 : memref<1x1x80x128xi32, #tpu.memory_space<hbm>> -> memref<80x128xi32, #tpu.memory_space<hbm>>
      %dma_start3A_69 = arith.constant 0 : i32
      %dma_start3A_70 = arith.constant 0 : i32
      %dma_start3A_71 = tpu.memref_slice %arg3[%arg0, %arg1, %dma_start3A_69, %dma_start3A_70] : memref<2x16x80x128xi32, #tpu.memory_space<hbm>> -> memref<1x1x80x128xi32, #tpu.memory_space<hbm>>
      %dma_start3A_72 = tpu.memref_squeeze %dma_start3A_71 : memref<1x1x80x128xi32, #tpu.memory_space<hbm>> -> memref<80x128xi32, #tpu.memory_space<hbm>>
      tpu.enqueue_dma source(%dma_start3A_72 : memref<80x128xi32, #tpu.memory_space<hbm>>) target(%arg7 : memref<80x128xi32, #tpu.memory_space<vmem>>) target_semaphore(%run_scoped3A : memref<!tpu.dma_semaphore, #tpu.memory_space<semaphore_mem>>)
      %dma_wait3A_73 = arith.constant 0 : i32
      %dma_wait3A_74 = arith.constant 0 : i32
      %dma_wait3A_75 = tpu.memref_slice %arg3[%arg0, %arg1, %dma_wait3A_73, %dma_wait3A_74] : memref<2x16x80x128xi32, #tpu.memory_space<hbm>> -> memref<1x1x80x128xi32, #tpu.memory_space<hbm>>
      %dma_wait3A_76 = tpu.memref_squeeze %dma_wait3A_75 : memref<1x1x80x128xi32, #tpu.memory_space<hbm>> -> memref<80x128xi32, #tpu.memory_space<hbm>>
      %dma_wait3A_77 = arith.constant 0 : i32
      %dma_wait3A_78 = arith.constant 0 : i32
      %dma_wait3A_79 = tpu.memref_slice %arg3[%arg0, %arg1, %dma_wait3A_77, %dma_wait3A_78] : memref<2x16x80x128xi32, #tpu.memory_space<hbm>> -> memref<1x1x80x128xi32, #tpu.memory_space<hbm>>
      %dma_wait3A_80 = tpu.memref_squeeze %dma_wait3A_79 : memref<1x1x80x128xi32, #tpu.memory_space<hbm>> -> memref<80x128xi32, #tpu.memory_space<hbm>>
      tpu.wait_dma2 semaphore(%run_scoped3A : memref<!tpu.dma_semaphore, #tpu.memory_space<semaphore_mem>>) src(%dma_wait3A_80 : memref<80x128xi32, #tpu.memory_space<hbm>>) dst(%arg7 : memref<80x128xi32, #tpu.memory_space<vmem>>)
      tpu.yield
    }) : () -> ()
    "tpu.region"() ({
      %run_scoped3A = tpu.sem_alloc : memref<!tpu.dma_semaphore, #tpu.memory_space<semaphore_mem>>
      %dma_start3A_65 = arith.constant 0 : i32
      %dma_start3A_66 = arith.constant 0 : i32
      %dma_start3A_67 = tpu.memref_slice %arg4[%arg0, %arg1, %dma_start3A_65, %dma_start3A_66] : memref<2x16x80x128xi32, #tpu.memory_space<hbm>> -> memref<1x1x80x128xi32, #tpu.memory_space<hbm>>
      %dma_start3A_68 = tpu.memref_squeeze %dma_start3A_67 : memref<1x1x80x128xi32, #tpu.memory_space<hbm>> -> memref<80x128xi32, #tpu.memory_space<hbm>>
      %dma_start3A_69 = arith.constant 0 : i32
      %dma_start3A_70 = arith.constant 0 : i32
      %dma_start3A_71 = tpu.memref_slice %arg4[%arg0, %arg1, %dma_start3A_69, %dma_start3A_70] : memref<2x16x80x128xi32, #tpu.memory_space<hbm>> -> memref<1x1x80x128xi32, #tpu.memory_space<hbm>>
      %dma_start3A_72 = tpu.memref_squeeze %dma_start3A_71 : memref<1x1x80x128xi32, #tpu.memory_space<hbm>> -> memref<80x128xi32, #tpu.memory_space<hbm>>
      tpu.enqueue_dma source(%dma_start3A_72 : memref<80x128xi32, #tpu.memory_space<hbm>>) target(%arg8 : memref<80x128xi32, #tpu.memory_space<vmem>>) target_semaphore(%run_scoped3A : memref<!tpu.dma_semaphore, #tpu.memory_space<semaphore_mem>>)
      %dma_wait3A_73 = arith.constant 0 : i32
      %dma_wait3A_74 = arith.constant 0 : i32
      %dma_wait3A_75 = tpu.memref_slice %arg4[%arg0, %arg1, %dma_wait3A_73, %dma_wait3A_74] : memref<2x16x80x128xi32, #tpu.memory_space<hbm>> -> memref<1x1x80x128xi32, #tpu.memory_space<hbm>>
      %dma_wait3A_76 = tpu.memref_squeeze %dma_wait3A_75 : memref<1x1x80x128xi32, #tpu.memory_space<hbm>> -> memref<80x128xi32, #tpu.memory_space<hbm>>
      %dma_wait3A_77 = arith.constant 0 : i32
      %dma_wait3A_78 = arith.constant 0 : i32
      %dma_wait3A_79 = tpu.memref_slice %arg4[%arg0, %arg1, %dma_wait3A_77, %dma_wait3A_78] : memref<2x16x80x128xi32, #tpu.memory_space<hbm>> -> memref<1x1x80x128xi32, #tpu.memory_space<hbm>>
      %dma_wait3A_80 = tpu.memref_squeeze %dma_wait3A_79 : memref<1x1x80x128xi32, #tpu.memory_space<hbm>> -> memref<80x128xi32, #tpu.memory_space<hbm>>
      tpu.wait_dma2 semaphore(%run_scoped3A : memref<!tpu.dma_semaphore, #tpu.memory_space<semaphore_mem>>) src(%dma_wait3A_80 : memref<80x128xi32, #tpu.memory_space<hbm>>) dst(%arg8 : memref<80x128xi32, #tpu.memory_space<vmem>>)
      tpu.yield
    }) : () -> ()
    %mul3A = arith.constant 640 : i32
    %mul3A_0 = arith.muli %arg1, %mul3A : i32
    "tpu.region"() ({
      %run_scoped3A = tpu.sem_alloc : memref<!tpu.dma_semaphore, #tpu.memory_space<semaphore_mem>>
      %dma_start3A_65 = arith.constant 0 : i32
      %dma_start3A_66 = tpu.memref_slice %arg21[%mul3A_0, %dma_start3A_65] : memref<10240x128xbf16, #tpu.memory_space<vmem_shared>> -> memref<640x128xbf16, #tpu.memory_space<vmem_shared>>
      tpu.enqueue_dma source(%arg5 : memref<640x128xbf16, #tpu.memory_space<hbm>>) target(%dma_start3A_66 : memref<640x128xbf16, #tpu.memory_space<vmem_shared>>) target_semaphore(%run_scoped3A : memref<!tpu.dma_semaphore, #tpu.memory_space<semaphore_mem>>)
      %dma_wait3A_67 = arith.constant 0 : i32
      %dma_wait3A_68 = tpu.memref_slice %arg21[%mul3A_0, %dma_wait3A_67] : memref<10240x128xbf16, #tpu.memory_space<vmem_shared>> -> memref<640x128xbf16, #tpu.memory_space<vmem_shared>>
      tpu.wait_dma2 semaphore(%run_scoped3A : memref<!tpu.dma_semaphore, #tpu.memory_space<semaphore_mem>>) src(%arg5 : memref<640x128xbf16, #tpu.memory_space<hbm>>) dst(%dma_wait3A_68 : memref<640x128xbf16, #tpu.memory_space<vmem_shared>>)
      tpu.yield
    }) : () -> ()
    %barrier3A = arith.constant 0 : index
    tpu.barrier barrier_id(%barrier3A)
    %dma_start3A = arith.constant 0 : i32
    %dma_start3A_1 = arith.constant 0 : i32
    %dma_start3A_2 = tpu.memref_slice %arg7[%dma_start3A, %dma_start3A_1] : memref<80x128xi32, #tpu.memory_space<vmem>> -> memref<1x128xi32, #tpu.memory_space<vmem>>
    %dma_start3A_3 = tpu.memref_squeeze %dma_start3A_2 : memref<1x128xi32, #tpu.memory_space<vmem>> -> memref<128xi32, #tpu.memory_space<vmem>>
    %dma_start3A_4 = arith.constant 0 : i32
    %dma_start3A_5 = arith.constant 0 : i32
    %dma_start3A_6 = tpu.memref_slice %arg2[%dma_start3A_4, %dma_start3A_5] : memref<10240x128xbf16, #tpu.memory_space<hbm>> -> memref<10240x128xbf16, #tpu.memory_space<hbm>>
    tpu.enqueue_indirect_dma source(%dma_start3A_6 : memref<10240x128xbf16, #tpu.memory_space<hbm>>) target(%arg9 : memref<128x128xbf16, #tpu.memory_space<vmem>>) offsets(%dma_start3A_3 : memref<128xi32, #tpu.memory_space<vmem>>) semaphore(%arg13 : memref<!tpu.dma_semaphore, #tpu.memory_space<semaphore_mem>>)
    %dma_start3A_7 = arith.constant 1 : i32
    %dma_start3A_8 = arith.constant 0 : i32
    %dma_start3A_9 = tpu.memref_slice %arg7[%dma_start3A_7, %dma_start3A_8] : memref<80x128xi32, #tpu.memory_space<vmem>> -> memref<1x128xi32, #tpu.memory_space<vmem>>
    %dma_start3A_10 = tpu.memref_squeeze %dma_start3A_9 : memref<1x128xi32, #tpu.memory_space<vmem>> -> memref<128xi32, #tpu.memory_space<vmem>>
    %dma_start3A_11 = arith.constant 0 : i32
    %dma_start3A_12 = arith.constant 0 : i32
    %dma_start3A_13 = tpu.memref_slice %arg2[%dma_start3A_11, %dma_start3A_12] : memref<10240x128xbf16, #tpu.memory_space<hbm>> -> memref<10240x128xbf16, #tpu.memory_space<hbm>>
    tpu.enqueue_indirect_dma source(%dma_start3A_13 : memref<10240x128xbf16, #tpu.memory_space<hbm>>) target(%arg10 : memref<128x128xbf16, #tpu.memory_space<vmem>>) offsets(%dma_start3A_10 : memref<128xi32, #tpu.memory_space<vmem>>) semaphore(%arg14 : memref<!tpu.dma_semaphore, #tpu.memory_space<semaphore_mem>>)
    %dma_start3A_14 = arith.constant 2 : i32
    %dma_start3A_15 = arith.constant 0 : i32
    %dma_start3A_16 = tpu.memref_slice %arg7[%dma_start3A_14, %dma_start3A_15] : memref<80x128xi32, #tpu.memory_space<vmem>> -> memref<1x128xi32, #tpu.memory_space<vmem>>
    %dma_start3A_17 = tpu.memref_squeeze %dma_start3A_16 : memref<1x128xi32, #tpu.memory_space<vmem>> -> memref<128xi32, #tpu.memory_space<vmem>>
    %dma_start3A_18 = arith.constant 0 : i32
    %dma_start3A_19 = arith.constant 0 : i32
    %dma_start3A_20 = tpu.memref_slice %arg2[%dma_start3A_18, %dma_start3A_19] : memref<10240x128xbf16, #tpu.memory_space<hbm>> -> memref<10240x128xbf16, #tpu.memory_space<hbm>>
    tpu.enqueue_indirect_dma source(%dma_start3A_20 : memref<10240x128xbf16, #tpu.memory_space<hbm>>) target(%arg11 : memref<128x128xbf16, #tpu.memory_space<vmem>>) offsets(%dma_start3A_17 : memref<128xi32, #tpu.memory_space<vmem>>) semaphore(%arg15 : memref<!tpu.dma_semaphore, #tpu.memory_space<semaphore_mem>>)
    %dma_start3A_21 = arith.constant 3 : i32
    %dma_start3A_22 = arith.constant 0 : i32
    %dma_start3A_23 = tpu.memref_slice %arg7[%dma_start3A_21, %dma_start3A_22] : memref<80x128xi32, #tpu.memory_space<vmem>> -> memref<1x128xi32, #tpu.memory_space<vmem>>
    %dma_start3A_24 = tpu.memref_squeeze %dma_start3A_23 : memref<1x128xi32, #tpu.memory_space<vmem>> -> memref<128xi32, #tpu.memory_space<vmem>>
    %dma_start3A_25 = arith.constant 0 : i32
    %dma_start3A_26 = arith.constant 0 : i32
    %dma_start3A_27 = tpu.memref_slice %arg2[%dma_start3A_25, %dma_start3A_26] : memref<10240x128xbf16, #tpu.memory_space<hbm>> -> memref<10240x128xbf16, #tpu.memory_space<hbm>>
    tpu.enqueue_indirect_dma source(%dma_start3A_27 : memref<10240x128xbf16, #tpu.memory_space<hbm>>) target(%arg12 : memref<128x128xbf16, #tpu.memory_space<vmem>>) offsets(%dma_start3A_24 : memref<128xi32, #tpu.memory_space<vmem>>) semaphore(%arg16 : memref<!tpu.dma_semaphore, #tpu.memory_space<semaphore_mem>>)
    %scan3A = arith.constant 0 : i32
    %scan3A_28 = arith.constant 0 : i32
    %scan3A_29 = arith.constant 20 : i32
    %scan3A_30 = arith.addi %scan3A_28, %scan3A_29 : i32
    %scan3A_31 = arith.constant 1 : i32
    scf.for %scan3A_65 = %scan3A_28 to %scan3A_30 step %scan3A_31  : i32 {
      %mul3A_66 = arith.constant 4 : i32
      %mul3A_67 = arith.muli %scan3A_65, %mul3A_66 : i32
      %add3A = arith.constant 0 : i32
      %add3A_68 = arith.addi %mul3A_67, %add3A : i32
      %dma_wait3A_69 = arith.constant 0 : i32
      %dma_wait3A_70 = tpu.memref_slice %arg7[%add3A_68, %dma_wait3A_69] : memref<80x128xi32, #tpu.memory_space<vmem>> -> memref<1x128xi32, #tpu.memory_space<vmem>>
      %dma_wait3A_71 = tpu.memref_squeeze %dma_wait3A_70 : memref<1x128xi32, #tpu.memory_space<vmem>> -> memref<128xi32, #tpu.memory_space<vmem>>
      %dma_wait3A_72 = arith.constant 0 : i32
      %dma_wait3A_73 = arith.constant 0 : i32
      %dma_wait3A_74 = tpu.memref_slice %arg2[%dma_wait3A_72, %dma_wait3A_73] : memref<10240x128xbf16, #tpu.memory_space<hbm>> -> memref<10240x128xbf16, #tpu.memory_space<hbm>>
      tpu.wait_indirect_dma semaphore(%arg13 : memref<!tpu.dma_semaphore, #tpu.memory_space<semaphore_mem>>) src(%dma_wait3A_74 : memref<10240x128xbf16, #tpu.memory_space<hbm>>) dst(%arg9 : memref<128x128xbf16, #tpu.memory_space<vmem>>)
      %add3A_75 = arith.constant 0 : i32
      %add3A_76 = arith.addi %mul3A_67, %add3A_75 : i32
      %dma_start3A_77 = arith.constant 0 : i32
      %dma_start3A_78 = tpu.memref_slice %arg8[%add3A_76, %dma_start3A_77] : memref<80x128xi32, #tpu.memory_space<vmem>> -> memref<1x128xi32, #tpu.memory_space<vmem>>
      %dma_start3A_79 = tpu.memref_squeeze %dma_start3A_78 : memref<1x128xi32, #tpu.memory_space<vmem>> -> memref<128xi32, #tpu.memory_space<vmem>>
      %dma_start3A_80 = arith.constant 0 : i32
      %dma_start3A_81 = arith.constant 0 : i32
      %dma_start3A_82 = tpu.memref_slice %arg21[%dma_start3A_80, %dma_start3A_81] : memref<10240x128xbf16, #tpu.memory_space<vmem_shared>> -> memref<10240x128xbf16, #tpu.memory_space<vmem_shared>>
      tpu.enqueue_indirect_dma source(%arg9 : memref<128x128xbf16, #tpu.memory_space<vmem>>) target(%dma_start3A_82 : memref<10240x128xbf16, #tpu.memory_space<vmem_shared>>) offsets(%dma_start3A_79 : memref<128xi32, #tpu.memory_space<vmem>>) semaphore(%arg17 : memref<!tpu.dma_semaphore, #tpu.memory_space<semaphore_mem>>) {add = true}
      %add3A_83 = arith.constant 1 : i32
      %add3A_84 = arith.addi %mul3A_67, %add3A_83 : i32
      %dma_wait3A_85 = arith.constant 0 : i32
      %dma_wait3A_86 = tpu.memref_slice %arg7[%add3A_84, %dma_wait3A_85] : memref<80x128xi32, #tpu.memory_space<vmem>> -> memref<1x128xi32, #tpu.memory_space<vmem>>
      %dma_wait3A_87 = tpu.memref_squeeze %dma_wait3A_86 : memref<1x128xi32, #tpu.memory_space<vmem>> -> memref<128xi32, #tpu.memory_space<vmem>>
      %dma_wait3A_88 = arith.constant 0 : i32
      %dma_wait3A_89 = arith.constant 0 : i32
      %dma_wait3A_90 = tpu.memref_slice %arg2[%dma_wait3A_88, %dma_wait3A_89] : memref<10240x128xbf16, #tpu.memory_space<hbm>> -> memref<10240x128xbf16, #tpu.memory_space<hbm>>
      tpu.wait_indirect_dma semaphore(%arg14 : memref<!tpu.dma_semaphore, #tpu.memory_space<semaphore_mem>>) src(%dma_wait3A_90 : memref<10240x128xbf16, #tpu.memory_space<hbm>>) dst(%arg10 : memref<128x128xbf16, #tpu.memory_space<vmem>>)
      %add3A_91 = arith.constant 1 : i32
      %add3A_92 = arith.addi %mul3A_67, %add3A_91 : i32
      %dma_start3A_93 = arith.constant 0 : i32
      %dma_start3A_94 = tpu.memref_slice %arg8[%add3A_92, %dma_start3A_93] : memref<80x128xi32, #tpu.memory_space<vmem>> -> memref<1x128xi32, #tpu.memory_space<vmem>>
      %dma_start3A_95 = tpu.memref_squeeze %dma_start3A_94 : memref<1x128xi32, #tpu.memory_space<vmem>> -> memref<128xi32, #tpu.memory_space<vmem>>
      %dma_start3A_96 = arith.constant 0 : i32
      %dma_start3A_97 = arith.constant 0 : i32
      %dma_start3A_98 = tpu.memref_slice %arg21[%dma_start3A_96, %dma_start3A_97] : memref<10240x128xbf16, #tpu.memory_space<vmem_shared>> -> memref<10240x128xbf16, #tpu.memory_space<vmem_shared>>
      tpu.enqueue_indirect_dma source(%arg10 : memref<128x128xbf16, #tpu.memory_space<vmem>>) target(%dma_start3A_98 : memref<10240x128xbf16, #tpu.memory_space<vmem_shared>>) offsets(%dma_start3A_95 : memref<128xi32, #tpu.memory_space<vmem>>) semaphore(%arg18 : memref<!tpu.dma_semaphore, #tpu.memory_space<semaphore_mem>>) {add = true}
      %add3A_99 = arith.constant 2 : i32
      %add3A_100 = arith.addi %mul3A_67, %add3A_99 : i32
      %dma_wait3A_101 = arith.constant 0 : i32
      %dma_wait3A_102 = tpu.memref_slice %arg7[%add3A_100, %dma_wait3A_101] : memref<80x128xi32, #tpu.memory_space<vmem>> -> memref<1x128xi32, #tpu.memory_space<vmem>>
      %dma_wait3A_103 = tpu.memref_squeeze %dma_wait3A_102 : memref<1x128xi32, #tpu.memory_space<vmem>> -> memref<128xi32, #tpu.memory_space<vmem>>
      %dma_wait3A_104 = arith.constant 0 : i32
      %dma_wait3A_105 = arith.constant 0 : i32
      %dma_wait3A_106 = tpu.memref_slice %arg2[%dma_wait3A_104, %dma_wait3A_105] : memref<10240x128xbf16, #tpu.memory_space<hbm>> -> memref<10240x128xbf16, #tpu.memory_space<hbm>>
      tpu.wait_indirect_dma semaphore(%arg15 : memref<!tpu.dma_semaphore, #tpu.memory_space<semaphore_mem>>) src(%dma_wait3A_106 : memref<10240x128xbf16, #tpu.memory_space<hbm>>) dst(%arg11 : memref<128x128xbf16, #tpu.memory_space<vmem>>)
      %add3A_107 = arith.constant 2 : i32
      %add3A_108 = arith.addi %mul3A_67, %add3A_107 : i32
      %dma_start3A_109 = arith.constant 0 : i32
      %dma_start3A_110 = tpu.memref_slice %arg8[%add3A_108, %dma_start3A_109] : memref<80x128xi32, #tpu.memory_space<vmem>> -> memref<1x128xi32, #tpu.memory_space<vmem>>
      %dma_start3A_111 = tpu.memref_squeeze %dma_start3A_110 : memref<1x128xi32, #tpu.memory_space<vmem>> -> memref<128xi32, #tpu.memory_space<vmem>>
      %dma_start3A_112 = arith.constant 0 : i32
      %dma_start3A_113 = arith.constant 0 : i32
      %dma_start3A_114 = tpu.memref_slice %arg21[%dma_start3A_112, %dma_start3A_113] : memref<10240x128xbf16, #tpu.memory_space<vmem_shared>> -> memref<10240x128xbf16, #tpu.memory_space<vmem_shared>>
      tpu.enqueue_indirect_dma source(%arg11 : memref<128x128xbf16, #tpu.memory_space<vmem>>) target(%dma_start3A_114 : memref<10240x128xbf16, #tpu.memory_space<vmem_shared>>) offsets(%dma_start3A_111 : memref<128xi32, #tpu.memory_space<vmem>>) semaphore(%arg19 : memref<!tpu.dma_semaphore, #tpu.memory_space<semaphore_mem>>) {add = true}
      %add3A_115 = arith.constant 3 : i32
      %add3A_116 = arith.addi %mul3A_67, %add3A_115 : i32
      %dma_wait3A_117 = arith.constant 0 : i32
      %dma_wait3A_118 = tpu.memref_slice %arg7[%add3A_116, %dma_wait3A_117] : memref<80x128xi32, #tpu.memory_space<vmem>> -> memref<1x128xi32, #tpu.memory_space<vmem>>
      %dma_wait3A_119 = tpu.memref_squeeze %dma_wait3A_118 : memref<1x128xi32, #tpu.memory_space<vmem>> -> memref<128xi32, #tpu.memory_space<vmem>>
      %dma_wait3A_120 = arith.constant 0 : i32
      %dma_wait3A_121 = arith.constant 0 : i32
      %dma_wait3A_122 = tpu.memref_slice %arg2[%dma_wait3A_120, %dma_wait3A_121] : memref<10240x128xbf16, #tpu.memory_space<hbm>> -> memref<10240x128xbf16, #tpu.memory_space<hbm>>
      tpu.wait_indirect_dma semaphore(%arg16 : memref<!tpu.dma_semaphore, #tpu.memory_space<semaphore_mem>>) src(%dma_wait3A_122 : memref<10240x128xbf16, #tpu.memory_space<hbm>>) dst(%arg12 : memref<128x128xbf16, #tpu.memory_space<vmem>>)
      %add3A_123 = arith.constant 3 : i32
      %add3A_124 = arith.addi %mul3A_67, %add3A_123 : i32
      %dma_start3A_125 = arith.constant 0 : i32
      %dma_start3A_126 = tpu.memref_slice %arg8[%add3A_124, %dma_start3A_125] : memref<80x128xi32, #tpu.memory_space<vmem>> -> memref<1x128xi32, #tpu.memory_space<vmem>>
      %dma_start3A_127 = tpu.memref_squeeze %dma_start3A_126 : memref<1x128xi32, #tpu.memory_space<vmem>> -> memref<128xi32, #tpu.memory_space<vmem>>
      %dma_start3A_128 = arith.constant 0 : i32
      %dma_start3A_129 = arith.constant 0 : i32
      %dma_start3A_130 = tpu.memref_slice %arg21[%dma_start3A_128, %dma_start3A_129] : memref<10240x128xbf16, #tpu.memory_space<vmem_shared>> -> memref<10240x128xbf16, #tpu.memory_space<vmem_shared>>
      tpu.enqueue_indirect_dma source(%arg12 : memref<128x128xbf16, #tpu.memory_space<vmem>>) target(%dma_start3A_130 : memref<10240x128xbf16, #tpu.memory_space<vmem_shared>>) offsets(%dma_start3A_127 : memref<128xi32, #tpu.memory_space<vmem>>) semaphore(%arg20 : memref<!tpu.dma_semaphore, #tpu.memory_space<semaphore_mem>>) {add = true}
      %add3A_131 = arith.constant 0 : i32
      %add3A_132 = arith.addi %mul3A_67, %add3A_131 : i32
      %add3A_133 = arith.constant 4 : i32
      %add3A_134 = arith.addi %add3A_132, %add3A_133 : i32
      %lt3A = arith.constant 80 : i32
      %lt3A_135 = arith.cmpi slt, %add3A_134, %lt3A : i32
      %convert_element_type3A = arith.extui %lt3A_135 : i1 to i32
      %cond3A = arith.constant 0 : i32
      %cond3A_136 = arith.cmpi ne, %convert_element_type3A, %cond3A : i32
      scf.if %cond3A_136 {
        %add3A_164 = arith.constant 0 : i32
        %add3A_165 = arith.addi %mul3A_67, %add3A_164 : i32
        %dma_wait3A_166 = arith.constant 0 : i32
        %dma_wait3A_167 = tpu.memref_slice %arg8[%add3A_165, %dma_wait3A_166] : memref<80x128xi32, #tpu.memory_space<vmem>> -> memref<1x128xi32, #tpu.memory_space<vmem>>
        %dma_wait3A_168 = tpu.memref_squeeze %dma_wait3A_167 : memref<1x128xi32, #tpu.memory_space<vmem>> -> memref<128xi32, #tpu.memory_space<vmem>>
        %dma_wait3A_169 = arith.constant 0 : i32
        %dma_wait3A_170 = arith.constant 0 : i32
        %dma_wait3A_171 = tpu.memref_slice %arg21[%dma_wait3A_169, %dma_wait3A_170] : memref<10240x128xbf16, #tpu.memory_space<vmem_shared>> -> memref<10240x128xbf16, #tpu.memory_space<vmem_shared>>
        tpu.wait_indirect_dma semaphore(%arg17 : memref<!tpu.dma_semaphore, #tpu.memory_space<semaphore_mem>>) src(%arg9 : memref<128x128xbf16, #tpu.memory_space<vmem>>) dst(%dma_wait3A_171 : memref<10240x128xbf16, #tpu.memory_space<vmem_shared>>)
        %add3A_172 = arith.constant 0 : i32
        %add3A_173 = arith.addi %mul3A_67, %add3A_172 : i32
        %add3A_174 = arith.constant 4 : i32
        %add3A_175 = arith.addi %add3A_173, %add3A_174 : i32
        %dma_start3A_176 = arith.constant 0 : i32
        %dma_start3A_177 = tpu.memref_slice %arg7[%add3A_175, %dma_start3A_176] : memref<80x128xi32, #tpu.memory_space<vmem>> -> memref<1x128xi32, #tpu.memory_space<vmem>>
        %dma_start3A_178 = tpu.memref_squeeze %dma_start3A_177 : memref<1x128xi32, #tpu.memory_space<vmem>> -> memref<128xi32, #tpu.memory_space<vmem>>
        %dma_start3A_179 = arith.constant 0 : i32
        %dma_start3A_180 = arith.constant 0 : i32
        %dma_start3A_181 = tpu.memref_slice %arg2[%dma_start3A_179, %dma_start3A_180] : memref<10240x128xbf16, #tpu.memory_space<hbm>> -> memref<10240x128xbf16, #tpu.memory_space<hbm>>
        tpu.enqueue_indirect_dma source(%dma_start3A_181 : memref<10240x128xbf16, #tpu.memory_space<hbm>>) target(%arg9 : memref<128x128xbf16, #tpu.memory_space<vmem>>) offsets(%dma_start3A_178 : memref<128xi32, #tpu.memory_space<vmem>>) semaphore(%arg13 : memref<!tpu.dma_semaphore, #tpu.memory_space<semaphore_mem>>)
      } else {
      }
      %add3A_137 = arith.constant 1 : i32
      %add3A_138 = arith.addi %mul3A_67, %add3A_137 : i32
      %add3A_139 = arith.constant 4 : i32
      %add3A_140 = arith.addi %add3A_138, %add3A_139 : i32
      %lt3A_141 = arith.constant 80 : i32
      %lt3A_142 = arith.cmpi slt, %add3A_140, %lt3A_141 : i32
      %convert_element_type3A_143 = arith.extui %lt3A_142 : i1 to i32
      %cond3A_144 = arith.constant 0 : i32
      %cond3A_145 = arith.cmpi ne, %convert_element_type3A_143, %cond3A_144 : i32
      scf.if %cond3A_145 {
        %add3A_164 = arith.constant 1 : i32
        %add3A_165 = arith.addi %mul3A_67, %add3A_164 : i32
        %dma_wait3A_166 = arith.constant 0 : i32
        %dma_wait3A_167 = tpu.memref_slice %arg8[%add3A_165, %dma_wait3A_166] : memref<80x128xi32, #tpu.memory_space<vmem>> -> memref<1x128xi32, #tpu.memory_space<vmem>>
        %dma_wait3A_168 = tpu.memref_squeeze %dma_wait3A_167 : memref<1x128xi32, #tpu.memory_space<vmem>> -> memref<128xi32, #tpu.memory_space<vmem>>
        %dma_wait3A_169 = arith.constant 0 : i32
        %dma_wait3A_170 = arith.constant 0 : i32
        %dma_wait3A_171 = tpu.memref_slice %arg21[%dma_wait3A_169, %dma_wait3A_170] : memref<10240x128xbf16, #tpu.memory_space<vmem_shared>> -> memref<10240x128xbf16, #tpu.memory_space<vmem_shared>>
        tpu.wait_indirect_dma semaphore(%arg18 : memref<!tpu.dma_semaphore, #tpu.memory_space<semaphore_mem>>) src(%arg10 : memref<128x128xbf16, #tpu.memory_space<vmem>>) dst(%dma_wait3A_171 : memref<10240x128xbf16, #tpu.memory_space<vmem_shared>>)
        %add3A_172 = arith.constant 1 : i32
        %add3A_173 = arith.addi %mul3A_67, %add3A_172 : i32
        %add3A_174 = arith.constant 4 : i32
        %add3A_175 = arith.addi %add3A_173, %add3A_174 : i32
        %dma_start3A_176 = arith.constant 0 : i32
        %dma_start3A_177 = tpu.memref_slice %arg7[%add3A_175, %dma_start3A_176] : memref<80x128xi32, #tpu.memory_space<vmem>> -> memref<1x128xi32, #tpu.memory_space<vmem>>
        %dma_start3A_178 = tpu.memref_squeeze %dma_start3A_177 : memref<1x128xi32, #tpu.memory_space<vmem>> -> memref<128xi32, #tpu.memory_space<vmem>>
        %dma_start3A_179 = arith.constant 0 : i32
        %dma_start3A_180 = arith.constant 0 : i32
        %dma_start3A_181 = tpu.memref_slice %arg2[%dma_start3A_179, %dma_start3A_180] : memref<10240x128xbf16, #tpu.memory_space<hbm>> -> memref<10240x128xbf16, #tpu.memory_space<hbm>>
        tpu.enqueue_indirect_dma source(%dma_start3A_181 : memref<10240x128xbf16, #tpu.memory_space<hbm>>) target(%arg10 : memref<128x128xbf16, #tpu.memory_space<vmem>>) offsets(%dma_start3A_178 : memref<128xi32, #tpu.memory_space<vmem>>) semaphore(%arg14 : memref<!tpu.dma_semaphore, #tpu.memory_space<semaphore_mem>>)
      } else {
      }
      %add3A_146 = arith.constant 2 : i32
      %add3A_147 = arith.addi %mul3A_67, %add3A_146 : i32
      %add3A_148 = arith.constant 4 : i32
      %add3A_149 = arith.addi %add3A_147, %add3A_148 : i32
      %lt3A_150 = arith.constant 80 : i32
      %lt3A_151 = arith.cmpi slt, %add3A_149, %lt3A_150 : i32
      %convert_element_type3A_152 = arith.extui %lt3A_151 : i1 to i32
      %cond3A_153 = arith.constant 0 : i32
      %cond3A_154 = arith.cmpi ne, %convert_element_type3A_152, %cond3A_153 : i32
      scf.if %cond3A_154 {
        %add3A_164 = arith.constant 2 : i32
        %add3A_165 = arith.addi %mul3A_67, %add3A_164 : i32
        %dma_wait3A_166 = arith.constant 0 : i32
        %dma_wait3A_167 = tpu.memref_slice %arg8[%add3A_165, %dma_wait3A_166] : memref<80x128xi32, #tpu.memory_space<vmem>> -> memref<1x128xi32, #tpu.memory_space<vmem>>
        %dma_wait3A_168 = tpu.memref_squeeze %dma_wait3A_167 : memref<1x128xi32, #tpu.memory_space<vmem>> -> memref<128xi32, #tpu.memory_space<vmem>>
        %dma_wait3A_169 = arith.constant 0 : i32
        %dma_wait3A_170 = arith.constant 0 : i32
        %dma_wait3A_171 = tpu.memref_slice %arg21[%dma_wait3A_169, %dma_wait3A_170] : memref<10240x128xbf16, #tpu.memory_space<vmem_shared>> -> memref<10240x128xbf16, #tpu.memory_space<vmem_shared>>
        tpu.wait_indirect_dma semaphore(%arg19 : memref<!tpu.dma_semaphore, #tpu.memory_space<semaphore_mem>>) src(%arg11 : memref<128x128xbf16, #tpu.memory_space<vmem>>) dst(%dma_wait3A_171 : memref<10240x128xbf16, #tpu.memory_space<vmem_shared>>)
        %add3A_172 = arith.constant 2 : i32
        %add3A_173 = arith.addi %mul3A_67, %add3A_172 : i32
        %add3A_174 = arith.constant 4 : i32
        %add3A_175 = arith.addi %add3A_173, %add3A_174 : i32
        %dma_start3A_176 = arith.constant 0 : i32
        %dma_start3A_177 = tpu.memref_slice %arg7[%add3A_175, %dma_start3A_176] : memref<80x128xi32, #tpu.memory_space<vmem>> -> memref<1x128xi32, #tpu.memory_space<vmem>>
        %dma_start3A_178 = tpu.memref_squeeze %dma_start3A_177 : memref<1x128xi32, #tpu.memory_space<vmem>> -> memref<128xi32, #tpu.memory_space<vmem>>
        %dma_start3A_179 = arith.constant 0 : i32
        %dma_start3A_180 = arith.constant 0 : i32
        %dma_start3A_181 = tpu.memref_slice %arg2[%dma_start3A_179, %dma_start3A_180] : memref<10240x128xbf16, #tpu.memory_space<hbm>> -> memref<10240x128xbf16, #tpu.memory_space<hbm>>
        tpu.enqueue_indirect_dma source(%dma_start3A_181 : memref<10240x128xbf16, #tpu.memory_space<hbm>>) target(%arg11 : memref<128x128xbf16, #tpu.memory_space<vmem>>) offsets(%dma_start3A_178 : memref<128xi32, #tpu.memory_space<vmem>>) semaphore(%arg15 : memref<!tpu.dma_semaphore, #tpu.memory_space<semaphore_mem>>)
      } else {
      }
      %add3A_155 = arith.constant 3 : i32
      %add3A_156 = arith.addi %mul3A_67, %add3A_155 : i32
      %add3A_157 = arith.constant 4 : i32
      %add3A_158 = arith.addi %add3A_156, %add3A_157 : i32
      %lt3A_159 = arith.constant 80 : i32
      %lt3A_160 = arith.cmpi slt, %add3A_158, %lt3A_159 : i32
      %convert_element_type3A_161 = arith.extui %lt3A_160 : i1 to i32
      %cond3A_162 = arith.constant 0 : i32
      %cond3A_163 = arith.cmpi ne, %convert_element_type3A_161, %cond3A_162 : i32
      scf.if %cond3A_163 {
        %add3A_164 = arith.constant 3 : i32
        %add3A_165 = arith.addi %mul3A_67, %add3A_164 : i32
        %dma_wait3A_166 = arith.constant 0 : i32
        %dma_wait3A_167 = tpu.memref_slice %arg8[%add3A_165, %dma_wait3A_166] : memref<80x128xi32, #tpu.memory_space<vmem>> -> memref<1x128xi32, #tpu.memory_space<vmem>>
        %dma_wait3A_168 = tpu.memref_squeeze %dma_wait3A_167 : memref<1x128xi32, #tpu.memory_space<vmem>> -> memref<128xi32, #tpu.memory_space<vmem>>
        %dma_wait3A_169 = arith.constant 0 : i32
        %dma_wait3A_170 = arith.constant 0 : i32
        %dma_wait3A_171 = tpu.memref_slice %arg21[%dma_wait3A_169, %dma_wait3A_170] : memref<10240x128xbf16, #tpu.memory_space<vmem_shared>> -> memref<10240x128xbf16, #tpu.memory_space<vmem_shared>>
        tpu.wait_indirect_dma semaphore(%arg20 : memref<!tpu.dma_semaphore, #tpu.memory_space<semaphore_mem>>) src(%arg12 : memref<128x128xbf16, #tpu.memory_space<vmem>>) dst(%dma_wait3A_171 : memref<10240x128xbf16, #tpu.memory_space<vmem_shared>>)
        %add3A_172 = arith.constant 3 : i32
        %add3A_173 = arith.addi %mul3A_67, %add3A_172 : i32
        %add3A_174 = arith.constant 4 : i32
        %add3A_175 = arith.addi %add3A_173, %add3A_174 : i32
        %dma_start3A_176 = arith.constant 0 : i32
        %dma_start3A_177 = tpu.memref_slice %arg7[%add3A_175, %dma_start3A_176] : memref<80x128xi32, #tpu.memory_space<vmem>> -> memref<1x128xi32, #tpu.memory_space<vmem>>
        %dma_start3A_178 = tpu.memref_squeeze %dma_start3A_177 : memref<1x128xi32, #tpu.memory_space<vmem>> -> memref<128xi32, #tpu.memory_space<vmem>>
        %dma_start3A_179 = arith.constant 0 : i32
        %dma_start3A_180 = arith.constant 0 : i32
        %dma_start3A_181 = tpu.memref_slice %arg2[%dma_start3A_179, %dma_start3A_180] : memref<10240x128xbf16, #tpu.memory_space<hbm>> -> memref<10240x128xbf16, #tpu.memory_space<hbm>>
        tpu.enqueue_indirect_dma source(%dma_start3A_181 : memref<10240x128xbf16, #tpu.memory_space<hbm>>) target(%arg12 : memref<128x128xbf16, #tpu.memory_space<vmem>>) offsets(%dma_start3A_178 : memref<128xi32, #tpu.memory_space<vmem>>) semaphore(%arg16 : memref<!tpu.dma_semaphore, #tpu.memory_space<semaphore_mem>>)
      } else {
      }
    }
    %scan3A_32 = arith.constant 20 : i32
    %dma_wait3A = arith.constant 76 : i32
    %dma_wait3A_33 = arith.constant 0 : i32
    %dma_wait3A_34 = tpu.memref_slice %arg8[%dma_wait3A, %dma_wait3A_33] : memref<80x128xi32, #tpu.memory_space<vmem>> -> memref<1x128xi32, #tpu.memory_space<vmem>>
    %dma_wait3A_35 = tpu.memref_squeeze %dma_wait3A_34 : memref<1x128xi32, #tpu.memory_space<vmem>> -> memref<128xi32, #tpu.memory_space<vmem>>
    %dma_wait3A_36 = arith.constant 0 : i32
    %dma_wait3A_37 = arith.constant 0 : i32
    %dma_wait3A_38 = tpu.memref_slice %arg21[%dma_wait3A_36, %dma_wait3A_37] : memref<10240x128xbf16, #tpu.memory_space<vmem_shared>> -> memref<10240x128xbf16, #tpu.memory_space<vmem_shared>>
    tpu.wait_indirect_dma semaphore(%arg17 : memref<!tpu.dma_semaphore, #tpu.memory_space<semaphore_mem>>) src(%arg9 : memref<128x128xbf16, #tpu.memory_space<vmem>>) dst(%dma_wait3A_38 : memref<10240x128xbf16, #tpu.memory_space<vmem_shared>>)
    %dma_wait3A_39 = arith.constant 77 : i32
    %dma_wait3A_40 = arith.constant 0 : i32
    %dma_wait3A_41 = tpu.memref_slice %arg8[%dma_wait3A_39, %dma_wait3A_40] : memref<80x128xi32, #tpu.memory_space<vmem>> -> memref<1x128xi32, #tpu.memory_space<vmem>>
    %dma_wait3A_42 = tpu.memref_squeeze %dma_wait3A_41 : memref<1x128xi32, #tpu.memory_space<vmem>> -> memref<128xi32, #tpu.memory_space<vmem>>
    %dma_wait3A_43 = arith.constant 0 : i32
    %dma_wait3A_44 = arith.constant 0 : i32
    %dma_wait3A_45 = tpu.memref_slice %arg21[%dma_wait3A_43, %dma_wait3A_44] : memref<10240x128xbf16, #tpu.memory_space<vmem_shared>> -> memref<10240x128xbf16, #tpu.memory_space<vmem_shared>>
    tpu.wait_indirect_dma semaphore(%arg18 : memref<!tpu.dma_semaphore, #tpu.memory_space<semaphore_mem>>) src(%arg10 : memref<128x128xbf16, #tpu.memory_space<vmem>>) dst(%dma_wait3A_45 : memref<10240x128xbf16, #tpu.memory_space<vmem_shared>>)
    %dma_wait3A_46 = arith.constant 78 : i32
    %dma_wait3A_47 = arith.constant 0 : i32
    %dma_wait3A_48 = tpu.memref_slice %arg8[%dma_wait3A_46, %dma_wait3A_47] : memref<80x128xi32, #tpu.memory_space<vmem>> -> memref<1x128xi32, #tpu.memory_space<vmem>>
    %dma_wait3A_49 = tpu.memref_squeeze %dma_wait3A_48 : memref<1x128xi32, #tpu.memory_space<vmem>> -> memref<128xi32, #tpu.memory_space<vmem>>
    %dma_wait3A_50 = arith.constant 0 : i32
    %dma_wait3A_51 = arith.constant 0 : i32
    %dma_wait3A_52 = tpu.memref_slice %arg21[%dma_wait3A_50, %dma_wait3A_51] : memref<10240x128xbf16, #tpu.memory_space<vmem_shared>> -> memref<10240x128xbf16, #tpu.memory_space<vmem_shared>>
    tpu.wait_indirect_dma semaphore(%arg19 : memref<!tpu.dma_semaphore, #tpu.memory_space<semaphore_mem>>) src(%arg11 : memref<128x128xbf16, #tpu.memory_space<vmem>>) dst(%dma_wait3A_52 : memref<10240x128xbf16, #tpu.memory_space<vmem_shared>>)
    %dma_wait3A_53 = arith.constant 79 : i32
    %dma_wait3A_54 = arith.constant 0 : i32
    %dma_wait3A_55 = tpu.memref_slice %arg8[%dma_wait3A_53, %dma_wait3A_54] : memref<80x128xi32, #tpu.memory_space<vmem>> -> memref<1x128xi32, #tpu.memory_space<vmem>>
    %dma_wait3A_56 = tpu.memref_squeeze %dma_wait3A_55 : memref<1x128xi32, #tpu.memory_space<vmem>> -> memref<128xi32, #tpu.memory_space<vmem>>
    %dma_wait3A_57 = arith.constant 0 : i32
    %dma_wait3A_58 = arith.constant 0 : i32
    %dma_wait3A_59 = tpu.memref_slice %arg21[%dma_wait3A_57, %dma_wait3A_58] : memref<10240x128xbf16, #tpu.memory_space<vmem_shared>> -> memref<10240x128xbf16, #tpu.memory_space<vmem_shared>>
    tpu.wait_indirect_dma semaphore(%arg20 : memref<!tpu.dma_semaphore, #tpu.memory_space<semaphore_mem>>) src(%arg12 : memref<128x128xbf16, #tpu.memory_space<vmem>>) dst(%dma_wait3A_59 : memref<10240x128xbf16, #tpu.memory_space<vmem_shared>>)
    %barrier3A_60 = arith.constant 0 : index
    tpu.barrier barrier_id(%barrier3A_60)
    %mul3A_61 = arith.constant 640 : i32
    %mul3A_62 = arith.muli %arg1, %mul3A_61 : i32
    %mul3A_63 = arith.constant 640 : i32
    %mul3A_64 = arith.muli %arg1, %mul3A_63 : i32
    "tpu.region"() ({
      %run_scoped3A = tpu.sem_alloc : memref<!tpu.dma_semaphore, #tpu.memory_space<semaphore_mem>>
      %dma_start3A_65 = arith.constant 0 : i32
      %dma_start3A_66 = tpu.memref_slice %arg6[%arg0, %mul3A_64, %dma_start3A_65] : memref<2x10240x128xbf16, #tpu.memory_space<hbm>> -> memref<1x640x128xbf16, #tpu.memory_space<hbm>>
      %dma_start3A_67 = tpu.memref_squeeze %dma_start3A_66 : memref<1x640x128xbf16, #tpu.memory_space<hbm>> -> memref<640x128xbf16, #tpu.memory_space<hbm>>
      %dma_start3A_68 = arith.constant 0 : i32
      %dma_start3A_69 = tpu.memref_slice %arg21[%mul3A_62, %dma_start3A_68] : memref<10240x128xbf16, #tpu.memory_space<vmem_shared>> -> memref<640x128xbf16, #tpu.memory_space<vmem_shared>>
      tpu.enqueue_dma source(%dma_start3A_69 : memref<640x128xbf16, #tpu.memory_space<vmem_shared>>) target(%dma_start3A_67 : memref<640x128xbf16, #tpu.memory_space<hbm>>) target_semaphore(%run_scoped3A : memref<!tpu.dma_semaphore, #tpu.memory_space<semaphore_mem>>)
      %dma_wait3A_70 = arith.constant 0 : i32
      %dma_wait3A_71 = tpu.memref_slice %arg6[%arg0, %mul3A_64, %dma_wait3A_70] : memref<2x10240x128xbf16, #tpu.memory_space<hbm>> -> memref<1x640x128xbf16, #tpu.memory_space<hbm>>
      %dma_wait3A_72 = tpu.memref_squeeze %dma_wait3A_71 : memref<1x640x128xbf16, #tpu.memory_space<hbm>> -> memref<640x128xbf16, #tpu.memory_space<hbm>>
      %dma_wait3A_73 = arith.constant 0 : i32
      %dma_wait3A_74 = tpu.memref_slice %arg21[%mul3A_62, %dma_wait3A_73] : memref<10240x128xbf16, #tpu.memory_space<vmem_shared>> -> memref<640x128xbf16, #tpu.memory_space<vmem_shared>>
      tpu.wait_dma2 semaphore(%run_scoped3A : memref<!tpu.dma_semaphore, #tpu.memory_space<semaphore_mem>>) src(%dma_wait3A_74 : memref<640x128xbf16, #tpu.memory_space<vmem_shared>>) dst(%dma_wait3A_72 : memref<640x128xbf16, #tpu.memory_space<hbm>>)
      tpu.yield
    }) : () -> ()
    return
  }
}

#map = affine_map<(d0, d1) -> (0, 0, 0, 0)>
#map1 = affine_map<(d0, d1) -> (0, 0)>
#map2 = affine_map<(d0, d1) -> (0, 0, 0)>
module attributes {stable_mosaic.version = 14 : i64} {
  func.func @deg_kernel(%arg0: i32, %arg1: i32, %arg2: memref<2x16x80x128xi32, #tpu.memory_space<hbm>>, %arg3: memref<128x16xf32, #tpu.memory_space<hbm>>, %arg4: memref<640x16xf32, #tpu.memory_space<hbm>>, %arg5: memref<2x10240x16xf32, #tpu.memory_space<hbm>>, %arg6: memref<80x128xi32, #tpu.memory_space<vmem>>, %arg7: memref<128x16xf32, #tpu.memory_space<vmem>>, %arg8: memref<10240x16xf32, #tpu.memory_space<vmem_shared>>) attributes {dimension_semantics = [#tpu.dimension_semantics<core_parallel>, #tpu.dimension_semantics<subcore_parallel>], iteration_bounds = array<i64: 2, 16>, scalar_prefetch = 0 : i64, scratch_operands = 3 : i64, tpu.core_type = #tpu.core_type<sc_vector_subcore>, window_params = [{transform_indices = #map}, {transform_indices = #map1}, {transform_indices = #map1}, {transform_indices = #map2}]} {
    "tpu.region"() ({
      %run_scoped3A = tpu.sem_alloc : memref<!tpu.dma_semaphore, #tpu.memory_space<semaphore_mem>>
      %dma_start3A = arith.constant 0 : i32
      %dma_start3A_11 = arith.constant 0 : i32
      %dma_start3A_12 = tpu.memref_slice %arg2[%arg0, %arg1, %dma_start3A, %dma_start3A_11] : memref<2x16x80x128xi32, #tpu.memory_space<hbm>> -> memref<1x1x80x128xi32, #tpu.memory_space<hbm>>
      %dma_start3A_13 = tpu.memref_squeeze %dma_start3A_12 : memref<1x1x80x128xi32, #tpu.memory_space<hbm>> -> memref<80x128xi32, #tpu.memory_space<hbm>>
      %dma_start3A_14 = arith.constant 0 : i32
      %dma_start3A_15 = arith.constant 0 : i32
      %dma_start3A_16 = tpu.memref_slice %arg2[%arg0, %arg1, %dma_start3A_14, %dma_start3A_15] : memref<2x16x80x128xi32, #tpu.memory_space<hbm>> -> memref<1x1x80x128xi32, #tpu.memory_space<hbm>>
      %dma_start3A_17 = tpu.memref_squeeze %dma_start3A_16 : memref<1x1x80x128xi32, #tpu.memory_space<hbm>> -> memref<80x128xi32, #tpu.memory_space<hbm>>
      tpu.enqueue_dma source(%dma_start3A_17 : memref<80x128xi32, #tpu.memory_space<hbm>>) target(%arg6 : memref<80x128xi32, #tpu.memory_space<vmem>>) target_semaphore(%run_scoped3A : memref<!tpu.dma_semaphore, #tpu.memory_space<semaphore_mem>>)
      %dma_wait3A = arith.constant 0 : i32
      %dma_wait3A_18 = arith.constant 0 : i32
      %dma_wait3A_19 = tpu.memref_slice %arg2[%arg0, %arg1, %dma_wait3A, %dma_wait3A_18] : memref<2x16x80x128xi32, #tpu.memory_space<hbm>> -> memref<1x1x80x128xi32, #tpu.memory_space<hbm>>
      %dma_wait3A_20 = tpu.memref_squeeze %dma_wait3A_19 : memref<1x1x80x128xi32, #tpu.memory_space<hbm>> -> memref<80x128xi32, #tpu.memory_space<hbm>>
      %dma_wait3A_21 = arith.constant 0 : i32
      %dma_wait3A_22 = arith.constant 0 : i32
      %dma_wait3A_23 = tpu.memref_slice %arg2[%arg0, %arg1, %dma_wait3A_21, %dma_wait3A_22] : memref<2x16x80x128xi32, #tpu.memory_space<hbm>> -> memref<1x1x80x128xi32, #tpu.memory_space<hbm>>
      %dma_wait3A_24 = tpu.memref_squeeze %dma_wait3A_23 : memref<1x1x80x128xi32, #tpu.memory_space<hbm>> -> memref<80x128xi32, #tpu.memory_space<hbm>>
      tpu.wait_dma2 semaphore(%run_scoped3A : memref<!tpu.dma_semaphore, #tpu.memory_space<semaphore_mem>>) src(%dma_wait3A_24 : memref<80x128xi32, #tpu.memory_space<hbm>>) dst(%arg6 : memref<80x128xi32, #tpu.memory_space<vmem>>)
      tpu.yield
    }) : () -> ()
    "tpu.region"() ({
      %run_scoped3A = tpu.sem_alloc : memref<!tpu.dma_semaphore, #tpu.memory_space<semaphore_mem>>
      tpu.enqueue_dma source(%arg3 : memref<128x16xf32, #tpu.memory_space<hbm>>) target(%arg7 : memref<128x16xf32, #tpu.memory_space<vmem>>) target_semaphore(%run_scoped3A : memref<!tpu.dma_semaphore, #tpu.memory_space<semaphore_mem>>)
      tpu.wait_dma2 semaphore(%run_scoped3A : memref<!tpu.dma_semaphore, #tpu.memory_space<semaphore_mem>>) src(%arg3 : memref<128x16xf32, #tpu.memory_space<hbm>>) dst(%arg7 : memref<128x16xf32, #tpu.memory_space<vmem>>)
      tpu.yield
    }) : () -> ()
    %mul3A = arith.constant 640 : i32
    %mul3A_0 = arith.muli %arg1, %mul3A : i32
    "tpu.region"() ({
      %run_scoped3A = tpu.sem_alloc : memref<!tpu.dma_semaphore, #tpu.memory_space<semaphore_mem>>
      %dma_start3A = arith.constant 0 : i32
      %dma_start3A_11 = tpu.memref_slice %arg8[%mul3A_0, %dma_start3A] : memref<10240x16xf32, #tpu.memory_space<vmem_shared>> -> memref<640x16xf32, #tpu.memory_space<vmem_shared>>
      tpu.enqueue_dma source(%arg4 : memref<640x16xf32, #tpu.memory_space<hbm>>) target(%dma_start3A_11 : memref<640x16xf32, #tpu.memory_space<vmem_shared>>) target_semaphore(%run_scoped3A : memref<!tpu.dma_semaphore, #tpu.memory_space<semaphore_mem>>)
      %dma_wait3A = arith.constant 0 : i32
      %dma_wait3A_12 = tpu.memref_slice %arg8[%mul3A_0, %dma_wait3A] : memref<10240x16xf32, #tpu.memory_space<vmem_shared>> -> memref<640x16xf32, #tpu.memory_space<vmem_shared>>
      tpu.wait_dma2 semaphore(%run_scoped3A : memref<!tpu.dma_semaphore, #tpu.memory_space<semaphore_mem>>) src(%arg4 : memref<640x16xf32, #tpu.memory_space<hbm>>) dst(%dma_wait3A_12 : memref<640x16xf32, #tpu.memory_space<vmem_shared>>)
      tpu.yield
    }) : () -> ()
    %barrier3A = arith.constant 0 : index
    tpu.barrier barrier_id(%barrier3A)
    %scan3A = arith.constant 0 : i32
    %scan3A_1 = arith.constant 0 : i32
    %scan3A_2 = arith.constant 80 : i32
    %scan3A_3 = arith.addi %scan3A_1, %scan3A_2 : i32
    %scan3A_4 = arith.constant 1 : i32
    scf.for %scan3A_11 = %scan3A_1 to %scan3A_3 step %scan3A_4  : i32 {
      "tpu.region"() ({
        %run_scoped3A = tpu.sem_alloc : memref<!tpu.dma_semaphore, #tpu.memory_space<semaphore_mem>>
        %dma_start3A = arith.constant 0 : i32
        %dma_start3A_12 = tpu.memref_slice %arg6[%scan3A_11, %dma_start3A] : memref<80x128xi32, #tpu.memory_space<vmem>> -> memref<1x128xi32, #tpu.memory_space<vmem>>
        %dma_start3A_13 = tpu.memref_squeeze %dma_start3A_12 : memref<1x128xi32, #tpu.memory_space<vmem>> -> memref<128xi32, #tpu.memory_space<vmem>>
        %dma_start3A_14 = arith.constant 0 : i32
        %dma_start3A_15 = arith.constant 0 : i32
        %dma_start3A_16 = tpu.memref_slice %arg8[%dma_start3A_14, %dma_start3A_15] : memref<10240x16xf32, #tpu.memory_space<vmem_shared>> -> memref<10240x16xf32, #tpu.memory_space<vmem_shared>>
        tpu.enqueue_indirect_dma source(%arg7 : memref<128x16xf32, #tpu.memory_space<vmem>>) target(%dma_start3A_16 : memref<10240x16xf32, #tpu.memory_space<vmem_shared>>) offsets(%dma_start3A_13 : memref<128xi32, #tpu.memory_space<vmem>>) semaphore(%run_scoped3A : memref<!tpu.dma_semaphore, #tpu.memory_space<semaphore_mem>>) {add = true}
        %dma_wait3A = arith.constant 0 : i32
        %dma_wait3A_17 = tpu.memref_slice %arg6[%scan3A_11, %dma_wait3A] : memref<80x128xi32, #tpu.memory_space<vmem>> -> memref<1x128xi32, #tpu.memory_space<vmem>>
        %dma_wait3A_18 = tpu.memref_squeeze %dma_wait3A_17 : memref<1x128xi32, #tpu.memory_space<vmem>> -> memref<128xi32, #tpu.memory_space<vmem>>
        %dma_wait3A_19 = arith.constant 0 : i32
        %dma_wait3A_20 = arith.constant 0 : i32
        %dma_wait3A_21 = tpu.memref_slice %arg8[%dma_wait3A_19, %dma_wait3A_20] : memref<10240x16xf32, #tpu.memory_space<vmem_shared>> -> memref<10240x16xf32, #tpu.memory_space<vmem_shared>>
        tpu.wait_indirect_dma semaphore(%run_scoped3A : memref<!tpu.dma_semaphore, #tpu.memory_space<semaphore_mem>>) src(%arg7 : memref<128x16xf32, #tpu.memory_space<vmem>>) dst(%dma_wait3A_21 : memref<10240x16xf32, #tpu.memory_space<vmem_shared>>)
        tpu.yield
      }) : () -> ()
    }
    %scan3A_5 = arith.constant 80 : i32
    %barrier3A_6 = arith.constant 0 : index
    tpu.barrier barrier_id(%barrier3A_6)
    %mul3A_7 = arith.constant 640 : i32
    %mul3A_8 = arith.muli %arg1, %mul3A_7 : i32
    %mul3A_9 = arith.constant 640 : i32
    %mul3A_10 = arith.muli %arg1, %mul3A_9 : i32
    "tpu.region"() ({
      %run_scoped3A = tpu.sem_alloc : memref<!tpu.dma_semaphore, #tpu.memory_space<semaphore_mem>>
      %dma_start3A = arith.constant 0 : i32
      %dma_start3A_11 = tpu.memref_slice %arg5[%arg0, %mul3A_10, %dma_start3A] : memref<2x10240x16xf32, #tpu.memory_space<hbm>> -> memref<1x640x16xf32, #tpu.memory_space<hbm>>
      %dma_start3A_12 = tpu.memref_squeeze %dma_start3A_11 : memref<1x640x16xf32, #tpu.memory_space<hbm>> -> memref<640x16xf32, #tpu.memory_space<hbm>>
      %dma_start3A_13 = arith.constant 0 : i32
      %dma_start3A_14 = tpu.memref_slice %arg8[%mul3A_8, %dma_start3A_13] : memref<10240x16xf32, #tpu.memory_space<vmem_shared>> -> memref<640x16xf32, #tpu.memory_space<vmem_shared>>
      tpu.enqueue_dma source(%dma_start3A_14 : memref<640x16xf32, #tpu.memory_space<vmem_shared>>) target(%dma_start3A_12 : memref<640x16xf32, #tpu.memory_space<hbm>>) target_semaphore(%run_scoped3A : memref<!tpu.dma_semaphore, #tpu.memory_space<semaphore_mem>>)
      %dma_wait3A = arith.constant 0 : i32
      %dma_wait3A_15 = tpu.memref_slice %arg5[%arg0, %mul3A_10, %dma_wait3A] : memref<2x10240x16xf32, #tpu.memory_space<hbm>> -> memref<1x640x16xf32, #tpu.memory_space<hbm>>
      %dma_wait3A_16 = tpu.memref_squeeze %dma_wait3A_15 : memref<1x640x16xf32, #tpu.memory_space<hbm>> -> memref<640x16xf32, #tpu.memory_space<hbm>>
      %dma_wait3A_17 = arith.constant 0 : i32
      %dma_wait3A_18 = tpu.memref_slice %arg8[%mul3A_8, %dma_wait3A_17] : memref<10240x16xf32, #tpu.memory_space<vmem_shared>> -> memref<640x16xf32, #tpu.memory_space<vmem_shared>>
      tpu.wait_dma2 semaphore(%run_scoped3A : memref<!tpu.dma_semaphore, #tpu.memory_space<semaphore_mem>>) src(%dma_wait3A_18 : memref<640x16xf32, #tpu.memory_space<vmem_shared>>) dst(%dma_wait3A_16 : memref<640x16xf32, #tpu.memory_space<hbm>>)
      tpu.yield
    }) : () -> ()
    return
  }
}

#map = affine_map<(d0, d1) -> (0, 0)>
#map1 = affine_map<(d0, d1) -> (0, 0, 0, 0)>
#map2 = affine_map<(d0, d1) -> (0, 0, 0)>
module attributes {stable_mosaic.version = 14 : i64} {
  func.func @agg_kernel(%arg0: i32, %arg1: i32, %arg2: memref<10240x128xbf16, #tpu.memory_space<hbm>>, %arg3: memref<2x16x80x128xi32, #tpu.memory_space<hbm>>, %arg4: memref<2x16x80x128xi32, #tpu.memory_space<hbm>>, %arg5: memref<640x128xbf16, #tpu.memory_space<hbm>>, %arg6: memref<2x10240x128xbf16, #tpu.memory_space<hbm>>, %arg7: memref<80x128xi32, #tpu.memory_space<vmem>>, %arg8: memref<80x128xi32, #tpu.memory_space<vmem>>, %arg9: memref<128x128xbf16, #tpu.memory_space<vmem>>, %arg10: memref<128x128xbf16, #tpu.memory_space<vmem>>, %arg11: memref<128x128xbf16, #tpu.memory_space<vmem>>, %arg12: memref<128x128xbf16, #tpu.memory_space<vmem>>, %arg13: memref<!tpu.dma_semaphore, #tpu.memory_space<semaphore_mem>>, %arg14: memref<!tpu.dma_semaphore, #tpu.memory_space<semaphore_mem>>, %arg15: memref<!tpu.dma_semaphore, #tpu.memory_space<semaphore_mem>>, %arg16: memref<!tpu.dma_semaphore, #tpu.memory_space<semaphore_mem>>, %arg17: memref<!tpu.dma_semaphore, #tpu.memory_space<semaphore_mem>>, %arg18: memref<!tpu.dma_semaphore, #tpu.memory_space<semaphore_mem>>, %arg19: memref<!tpu.dma_semaphore, #tpu.memory_space<semaphore_mem>>, %arg20: memref<!tpu.dma_semaphore, #tpu.memory_space<semaphore_mem>>, %arg21: memref<10240x128xbf16, #tpu.memory_space<vmem_shared>>) attributes {dimension_semantics = [#tpu.dimension_semantics<core_parallel>, #tpu.dimension_semantics<subcore_parallel>], iteration_bounds = array<i64: 2, 16>, scalar_prefetch = 0 : i64, scratch_operands = 15 : i64, tpu.core_type = #tpu.core_type<sc_vector_subcore>, window_params = [{transform_indices = #map}, {transform_indices = #map1}, {transform_indices = #map1}, {transform_indices = #map}, {transform_indices = #map2}]} {
    "tpu.region"() ({
      %run_scoped3A = tpu.sem_alloc : memref<!tpu.dma_semaphore, #tpu.memory_space<semaphore_mem>>
      %dma_start3A_65 = arith.constant 0 : i32
      %dma_start3A_66 = arith.constant 0 : i32
      %dma_start3A_67 = tpu.memref_slice %arg3[%arg0, %arg1, %dma_start3A_65, %dma_start3A_66] : memref<2x16x80x128xi32, #tpu.memory_space<hbm>> -> memref<1x1x80x128xi32, #tpu.memory_space<hbm>>
      %dma_start3A_68 = tpu.memref_squeeze %dma_start3A_67 : memref<1x1x80x128xi32, #tpu.memory_space<hbm>> -> memref<80x128xi32, #tpu.memory_space<hbm>>
      %dma_start3A_69 = arith.constant 0 : i32
      %dma_start3A_70 = arith.constant 0 : i32
      %dma_start3A_71 = tpu.memref_slice %arg3[%arg0, %arg1, %dma_start3A_69, %dma_start3A_70] : memref<2x16x80x128xi32, #tpu.memory_space<hbm>> -> memref<1x1x80x128xi32, #tpu.memory_space<hbm>>
      %dma_start3A_72 = tpu.memref_squeeze %dma_start3A_71 : memref<1x1x80x128xi32, #tpu.memory_space<hbm>> -> memref<80x128xi32, #tpu.memory_space<hbm>>
      tpu.enqueue_dma source(%dma_start3A_72 : memref<80x128xi32, #tpu.memory_space<hbm>>) target(%arg7 : memref<80x128xi32, #tpu.memory_space<vmem>>) target_semaphore(%run_scoped3A : memref<!tpu.dma_semaphore, #tpu.memory_space<semaphore_mem>>)
      %dma_wait3A_73 = arith.constant 0 : i32
      %dma_wait3A_74 = arith.constant 0 : i32
      %dma_wait3A_75 = tpu.memref_slice %arg3[%arg0, %arg1, %dma_wait3A_73, %dma_wait3A_74] : memref<2x16x80x128xi32, #tpu.memory_space<hbm>> -> memref<1x1x80x128xi32, #tpu.memory_space<hbm>>
      %dma_wait3A_76 = tpu.memref_squeeze %dma_wait3A_75 : memref<1x1x80x128xi32, #tpu.memory_space<hbm>> -> memref<80x128xi32, #tpu.memory_space<hbm>>
      %dma_wait3A_77 = arith.constant 0 : i32
      %dma_wait3A_78 = arith.constant 0 : i32
      %dma_wait3A_79 = tpu.memref_slice %arg3[%arg0, %arg1, %dma_wait3A_77, %dma_wait3A_78] : memref<2x16x80x128xi32, #tpu.memory_space<hbm>> -> memref<1x1x80x128xi32, #tpu.memory_space<hbm>>
      %dma_wait3A_80 = tpu.memref_squeeze %dma_wait3A_79 : memref<1x1x80x128xi32, #tpu.memory_space<hbm>> -> memref<80x128xi32, #tpu.memory_space<hbm>>
      tpu.wait_dma2 semaphore(%run_scoped3A : memref<!tpu.dma_semaphore, #tpu.memory_space<semaphore_mem>>) src(%dma_wait3A_80 : memref<80x128xi32, #tpu.memory_space<hbm>>) dst(%arg7 : memref<80x128xi32, #tpu.memory_space<vmem>>)
      tpu.yield
    }) : () -> ()
    "tpu.region"() ({
      %run_scoped3A = tpu.sem_alloc : memref<!tpu.dma_semaphore, #tpu.memory_space<semaphore_mem>>
      %dma_start3A_65 = arith.constant 0 : i32
      %dma_start3A_66 = arith.constant 0 : i32
      %dma_start3A_67 = tpu.memref_slice %arg4[%arg0, %arg1, %dma_start3A_65, %dma_start3A_66] : memref<2x16x80x128xi32, #tpu.memory_space<hbm>> -> memref<1x1x80x128xi32, #tpu.memory_space<hbm>>
      %dma_start3A_68 = tpu.memref_squeeze %dma_start3A_67 : memref<1x1x80x128xi32, #tpu.memory_space<hbm>> -> memref<80x128xi32, #tpu.memory_space<hbm>>
      %dma_start3A_69 = arith.constant 0 : i32
      %dma_start3A_70 = arith.constant 0 : i32
      %dma_start3A_71 = tpu.memref_slice %arg4[%arg0, %arg1, %dma_start3A_69, %dma_start3A_70] : memref<2x16x80x128xi32, #tpu.memory_space<hbm>> -> memref<1x1x80x128xi32, #tpu.memory_space<hbm>>
      %dma_start3A_72 = tpu.memref_squeeze %dma_start3A_71 : memref<1x1x80x128xi32, #tpu.memory_space<hbm>> -> memref<80x128xi32, #tpu.memory_space<hbm>>
      tpu.enqueue_dma source(%dma_start3A_72 : memref<80x128xi32, #tpu.memory_space<hbm>>) target(%arg8 : memref<80x128xi32, #tpu.memory_space<vmem>>) target_semaphore(%run_scoped3A : memref<!tpu.dma_semaphore, #tpu.memory_space<semaphore_mem>>)
      %dma_wait3A_73 = arith.constant 0 : i32
      %dma_wait3A_74 = arith.constant 0 : i32
      %dma_wait3A_75 = tpu.memref_slice %arg4[%arg0, %arg1, %dma_wait3A_73, %dma_wait3A_74] : memref<2x16x80x128xi32, #tpu.memory_space<hbm>> -> memref<1x1x80x128xi32, #tpu.memory_space<hbm>>
      %dma_wait3A_76 = tpu.memref_squeeze %dma_wait3A_75 : memref<1x1x80x128xi32, #tpu.memory_space<hbm>> -> memref<80x128xi32, #tpu.memory_space<hbm>>
      %dma_wait3A_77 = arith.constant 0 : i32
      %dma_wait3A_78 = arith.constant 0 : i32
      %dma_wait3A_79 = tpu.memref_slice %arg4[%arg0, %arg1, %dma_wait3A_77, %dma_wait3A_78] : memref<2x16x80x128xi32, #tpu.memory_space<hbm>> -> memref<1x1x80x128xi32, #tpu.memory_space<hbm>>
      %dma_wait3A_80 = tpu.memref_squeeze %dma_wait3A_79 : memref<1x1x80x128xi32, #tpu.memory_space<hbm>> -> memref<80x128xi32, #tpu.memory_space<hbm>>
      tpu.wait_dma2 semaphore(%run_scoped3A : memref<!tpu.dma_semaphore, #tpu.memory_space<semaphore_mem>>) src(%dma_wait3A_80 : memref<80x128xi32, #tpu.memory_space<hbm>>) dst(%arg8 : memref<80x128xi32, #tpu.memory_space<vmem>>)
      tpu.yield
    }) : () -> ()
    %mul3A = arith.constant 640 : i32
    %mul3A_0 = arith.muli %arg1, %mul3A : i32
    "tpu.region"() ({
      %run_scoped3A = tpu.sem_alloc : memref<!tpu.dma_semaphore, #tpu.memory_space<semaphore_mem>>
      %dma_start3A_65 = arith.constant 0 : i32
      %dma_start3A_66 = tpu.memref_slice %arg21[%mul3A_0, %dma_start3A_65] : memref<10240x128xbf16, #tpu.memory_space<vmem_shared>> -> memref<640x128xbf16, #tpu.memory_space<vmem_shared>>
      tpu.enqueue_dma source(%arg5 : memref<640x128xbf16, #tpu.memory_space<hbm>>) target(%dma_start3A_66 : memref<640x128xbf16, #tpu.memory_space<vmem_shared>>) target_semaphore(%run_scoped3A : memref<!tpu.dma_semaphore, #tpu.memory_space<semaphore_mem>>)
      %dma_wait3A_67 = arith.constant 0 : i32
      %dma_wait3A_68 = tpu.memref_slice %arg21[%mul3A_0, %dma_wait3A_67] : memref<10240x128xbf16, #tpu.memory_space<vmem_shared>> -> memref<640x128xbf16, #tpu.memory_space<vmem_shared>>
      tpu.wait_dma2 semaphore(%run_scoped3A : memref<!tpu.dma_semaphore, #tpu.memory_space<semaphore_mem>>) src(%arg5 : memref<640x128xbf16, #tpu.memory_space<hbm>>) dst(%dma_wait3A_68 : memref<640x128xbf16, #tpu.memory_space<vmem_shared>>)
      tpu.yield
    }) : () -> ()
    %barrier3A = arith.constant 0 : index
    tpu.barrier barrier_id(%barrier3A)
    %dma_start3A = arith.constant 0 : i32
    %dma_start3A_1 = arith.constant 0 : i32
    %dma_start3A_2 = tpu.memref_slice %arg7[%dma_start3A, %dma_start3A_1] : memref<80x128xi32, #tpu.memory_space<vmem>> -> memref<1x128xi32, #tpu.memory_space<vmem>>
    %dma_start3A_3 = tpu.memref_squeeze %dma_start3A_2 : memref<1x128xi32, #tpu.memory_space<vmem>> -> memref<128xi32, #tpu.memory_space<vmem>>
    %dma_start3A_4 = arith.constant 0 : i32
    %dma_start3A_5 = arith.constant 0 : i32
    %dma_start3A_6 = tpu.memref_slice %arg2[%dma_start3A_4, %dma_start3A_5] : memref<10240x128xbf16, #tpu.memory_space<hbm>> -> memref<10240x128xbf16, #tpu.memory_space<hbm>>
    tpu.enqueue_indirect_dma source(%dma_start3A_6 : memref<10240x128xbf16, #tpu.memory_space<hbm>>) target(%arg9 : memref<128x128xbf16, #tpu.memory_space<vmem>>) offsets(%dma_start3A_3 : memref<128xi32, #tpu.memory_space<vmem>>) semaphore(%arg13 : memref<!tpu.dma_semaphore, #tpu.memory_space<semaphore_mem>>)
    %dma_start3A_7 = arith.constant 1 : i32
    %dma_start3A_8 = arith.constant 0 : i32
    %dma_start3A_9 = tpu.memref_slice %arg7[%dma_start3A_7, %dma_start3A_8] : memref<80x128xi32, #tpu.memory_space<vmem>> -> memref<1x128xi32, #tpu.memory_space<vmem>>
    %dma_start3A_10 = tpu.memref_squeeze %dma_start3A_9 : memref<1x128xi32, #tpu.memory_space<vmem>> -> memref<128xi32, #tpu.memory_space<vmem>>
    %dma_start3A_11 = arith.constant 0 : i32
    %dma_start3A_12 = arith.constant 0 : i32
    %dma_start3A_13 = tpu.memref_slice %arg2[%dma_start3A_11, %dma_start3A_12] : memref<10240x128xbf16, #tpu.memory_space<hbm>> -> memref<10240x128xbf16, #tpu.memory_space<hbm>>
    tpu.enqueue_indirect_dma source(%dma_start3A_13 : memref<10240x128xbf16, #tpu.memory_space<hbm>>) target(%arg10 : memref<128x128xbf16, #tpu.memory_space<vmem>>) offsets(%dma_start3A_10 : memref<128xi32, #tpu.memory_space<vmem>>) semaphore(%arg14 : memref<!tpu.dma_semaphore, #tpu.memory_space<semaphore_mem>>)
    %dma_start3A_14 = arith.constant 2 : i32
    %dma_start3A_15 = arith.constant 0 : i32
    %dma_start3A_16 = tpu.memref_slice %arg7[%dma_start3A_14, %dma_start3A_15] : memref<80x128xi32, #tpu.memory_space<vmem>> -> memref<1x128xi32, #tpu.memory_space<vmem>>
    %dma_start3A_17 = tpu.memref_squeeze %dma_start3A_16 : memref<1x128xi32, #tpu.memory_space<vmem>> -> memref<128xi32, #tpu.memory_space<vmem>>
    %dma_start3A_18 = arith.constant 0 : i32
    %dma_start3A_19 = arith.constant 0 : i32
    %dma_start3A_20 = tpu.memref_slice %arg2[%dma_start3A_18, %dma_start3A_19] : memref<10240x128xbf16, #tpu.memory_space<hbm>> -> memref<10240x128xbf16, #tpu.memory_space<hbm>>
    tpu.enqueue_indirect_dma source(%dma_start3A_20 : memref<10240x128xbf16, #tpu.memory_space<hbm>>) target(%arg11 : memref<128x128xbf16, #tpu.memory_space<vmem>>) offsets(%dma_start3A_17 : memref<128xi32, #tpu.memory_space<vmem>>) semaphore(%arg15 : memref<!tpu.dma_semaphore, #tpu.memory_space<semaphore_mem>>)
    %dma_start3A_21 = arith.constant 3 : i32
    %dma_start3A_22 = arith.constant 0 : i32
    %dma_start3A_23 = tpu.memref_slice %arg7[%dma_start3A_21, %dma_start3A_22] : memref<80x128xi32, #tpu.memory_space<vmem>> -> memref<1x128xi32, #tpu.memory_space<vmem>>
    %dma_start3A_24 = tpu.memref_squeeze %dma_start3A_23 : memref<1x128xi32, #tpu.memory_space<vmem>> -> memref<128xi32, #tpu.memory_space<vmem>>
    %dma_start3A_25 = arith.constant 0 : i32
    %dma_start3A_26 = arith.constant 0 : i32
    %dma_start3A_27 = tpu.memref_slice %arg2[%dma_start3A_25, %dma_start3A_26] : memref<10240x128xbf16, #tpu.memory_space<hbm>> -> memref<10240x128xbf16, #tpu.memory_space<hbm>>
    tpu.enqueue_indirect_dma source(%dma_start3A_27 : memref<10240x128xbf16, #tpu.memory_space<hbm>>) target(%arg12 : memref<128x128xbf16, #tpu.memory_space<vmem>>) offsets(%dma_start3A_24 : memref<128xi32, #tpu.memory_space<vmem>>) semaphore(%arg16 : memref<!tpu.dma_semaphore, #tpu.memory_space<semaphore_mem>>)
    %scan3A = arith.constant 0 : i32
    %scan3A_28 = arith.constant 0 : i32
    %scan3A_29 = arith.constant 20 : i32
    %scan3A_30 = arith.addi %scan3A_28, %scan3A_29 : i32
    %scan3A_31 = arith.constant 1 : i32
    scf.for %scan3A_65 = %scan3A_28 to %scan3A_30 step %scan3A_31  : i32 {
      %mul3A_66 = arith.constant 4 : i32
      %mul3A_67 = arith.muli %scan3A_65, %mul3A_66 : i32
      %add3A = arith.constant 0 : i32
      %add3A_68 = arith.addi %mul3A_67, %add3A : i32
      %dma_wait3A_69 = arith.constant 0 : i32
      %dma_wait3A_70 = tpu.memref_slice %arg7[%add3A_68, %dma_wait3A_69] : memref<80x128xi32, #tpu.memory_space<vmem>> -> memref<1x128xi32, #tpu.memory_space<vmem>>
      %dma_wait3A_71 = tpu.memref_squeeze %dma_wait3A_70 : memref<1x128xi32, #tpu.memory_space<vmem>> -> memref<128xi32, #tpu.memory_space<vmem>>
      %dma_wait3A_72 = arith.constant 0 : i32
      %dma_wait3A_73 = arith.constant 0 : i32
      %dma_wait3A_74 = tpu.memref_slice %arg2[%dma_wait3A_72, %dma_wait3A_73] : memref<10240x128xbf16, #tpu.memory_space<hbm>> -> memref<10240x128xbf16, #tpu.memory_space<hbm>>
      tpu.wait_indirect_dma semaphore(%arg13 : memref<!tpu.dma_semaphore, #tpu.memory_space<semaphore_mem>>) src(%dma_wait3A_74 : memref<10240x128xbf16, #tpu.memory_space<hbm>>) dst(%arg9 : memref<128x128xbf16, #tpu.memory_space<vmem>>)
      %add3A_75 = arith.constant 0 : i32
      %add3A_76 = arith.addi %mul3A_67, %add3A_75 : i32
      %dma_start3A_77 = arith.constant 0 : i32
      %dma_start3A_78 = tpu.memref_slice %arg8[%add3A_76, %dma_start3A_77] : memref<80x128xi32, #tpu.memory_space<vmem>> -> memref<1x128xi32, #tpu.memory_space<vmem>>
      %dma_start3A_79 = tpu.memref_squeeze %dma_start3A_78 : memref<1x128xi32, #tpu.memory_space<vmem>> -> memref<128xi32, #tpu.memory_space<vmem>>
      %dma_start3A_80 = arith.constant 0 : i32
      %dma_start3A_81 = arith.constant 0 : i32
      %dma_start3A_82 = tpu.memref_slice %arg21[%dma_start3A_80, %dma_start3A_81] : memref<10240x128xbf16, #tpu.memory_space<vmem_shared>> -> memref<10240x128xbf16, #tpu.memory_space<vmem_shared>>
      tpu.enqueue_indirect_dma source(%arg9 : memref<128x128xbf16, #tpu.memory_space<vmem>>) target(%dma_start3A_82 : memref<10240x128xbf16, #tpu.memory_space<vmem_shared>>) offsets(%dma_start3A_79 : memref<128xi32, #tpu.memory_space<vmem>>) semaphore(%arg17 : memref<!tpu.dma_semaphore, #tpu.memory_space<semaphore_mem>>) {add = true}
      %add3A_83 = arith.constant 1 : i32
      %add3A_84 = arith.addi %mul3A_67, %add3A_83 : i32
      %dma_wait3A_85 = arith.constant 0 : i32
      %dma_wait3A_86 = tpu.memref_slice %arg7[%add3A_84, %dma_wait3A_85] : memref<80x128xi32, #tpu.memory_space<vmem>> -> memref<1x128xi32, #tpu.memory_space<vmem>>
      %dma_wait3A_87 = tpu.memref_squeeze %dma_wait3A_86 : memref<1x128xi32, #tpu.memory_space<vmem>> -> memref<128xi32, #tpu.memory_space<vmem>>
      %dma_wait3A_88 = arith.constant 0 : i32
      %dma_wait3A_89 = arith.constant 0 : i32
      %dma_wait3A_90 = tpu.memref_slice %arg2[%dma_wait3A_88, %dma_wait3A_89] : memref<10240x128xbf16, #tpu.memory_space<hbm>> -> memref<10240x128xbf16, #tpu.memory_space<hbm>>
      tpu.wait_indirect_dma semaphore(%arg14 : memref<!tpu.dma_semaphore, #tpu.memory_space<semaphore_mem>>) src(%dma_wait3A_90 : memref<10240x128xbf16, #tpu.memory_space<hbm>>) dst(%arg10 : memref<128x128xbf16, #tpu.memory_space<vmem>>)
      %add3A_91 = arith.constant 1 : i32
      %add3A_92 = arith.addi %mul3A_67, %add3A_91 : i32
      %dma_start3A_93 = arith.constant 0 : i32
      %dma_start3A_94 = tpu.memref_slice %arg8[%add3A_92, %dma_start3A_93] : memref<80x128xi32, #tpu.memory_space<vmem>> -> memref<1x128xi32, #tpu.memory_space<vmem>>
      %dma_start3A_95 = tpu.memref_squeeze %dma_start3A_94 : memref<1x128xi32, #tpu.memory_space<vmem>> -> memref<128xi32, #tpu.memory_space<vmem>>
      %dma_start3A_96 = arith.constant 0 : i32
      %dma_start3A_97 = arith.constant 0 : i32
      %dma_start3A_98 = tpu.memref_slice %arg21[%dma_start3A_96, %dma_start3A_97] : memref<10240x128xbf16, #tpu.memory_space<vmem_shared>> -> memref<10240x128xbf16, #tpu.memory_space<vmem_shared>>
      tpu.enqueue_indirect_dma source(%arg10 : memref<128x128xbf16, #tpu.memory_space<vmem>>) target(%dma_start3A_98 : memref<10240x128xbf16, #tpu.memory_space<vmem_shared>>) offsets(%dma_start3A_95 : memref<128xi32, #tpu.memory_space<vmem>>) semaphore(%arg18 : memref<!tpu.dma_semaphore, #tpu.memory_space<semaphore_mem>>) {add = true}
      %add3A_99 = arith.constant 2 : i32
      %add3A_100 = arith.addi %mul3A_67, %add3A_99 : i32
      %dma_wait3A_101 = arith.constant 0 : i32
      %dma_wait3A_102 = tpu.memref_slice %arg7[%add3A_100, %dma_wait3A_101] : memref<80x128xi32, #tpu.memory_space<vmem>> -> memref<1x128xi32, #tpu.memory_space<vmem>>
      %dma_wait3A_103 = tpu.memref_squeeze %dma_wait3A_102 : memref<1x128xi32, #tpu.memory_space<vmem>> -> memref<128xi32, #tpu.memory_space<vmem>>
      %dma_wait3A_104 = arith.constant 0 : i32
      %dma_wait3A_105 = arith.constant 0 : i32
      %dma_wait3A_106 = tpu.memref_slice %arg2[%dma_wait3A_104, %dma_wait3A_105] : memref<10240x128xbf16, #tpu.memory_space<hbm>> -> memref<10240x128xbf16, #tpu.memory_space<hbm>>
      tpu.wait_indirect_dma semaphore(%arg15 : memref<!tpu.dma_semaphore, #tpu.memory_space<semaphore_mem>>) src(%dma_wait3A_106 : memref<10240x128xbf16, #tpu.memory_space<hbm>>) dst(%arg11 : memref<128x128xbf16, #tpu.memory_space<vmem>>)
      %add3A_107 = arith.constant 2 : i32
      %add3A_108 = arith.addi %mul3A_67, %add3A_107 : i32
      %dma_start3A_109 = arith.constant 0 : i32
      %dma_start3A_110 = tpu.memref_slice %arg8[%add3A_108, %dma_start3A_109] : memref<80x128xi32, #tpu.memory_space<vmem>> -> memref<1x128xi32, #tpu.memory_space<vmem>>
      %dma_start3A_111 = tpu.memref_squeeze %dma_start3A_110 : memref<1x128xi32, #tpu.memory_space<vmem>> -> memref<128xi32, #tpu.memory_space<vmem>>
      %dma_start3A_112 = arith.constant 0 : i32
      %dma_start3A_113 = arith.constant 0 : i32
      %dma_start3A_114 = tpu.memref_slice %arg21[%dma_start3A_112, %dma_start3A_113] : memref<10240x128xbf16, #tpu.memory_space<vmem_shared>> -> memref<10240x128xbf16, #tpu.memory_space<vmem_shared>>
      tpu.enqueue_indirect_dma source(%arg11 : memref<128x128xbf16, #tpu.memory_space<vmem>>) target(%dma_start3A_114 : memref<10240x128xbf16, #tpu.memory_space<vmem_shared>>) offsets(%dma_start3A_111 : memref<128xi32, #tpu.memory_space<vmem>>) semaphore(%arg19 : memref<!tpu.dma_semaphore, #tpu.memory_space<semaphore_mem>>) {add = true}
      %add3A_115 = arith.constant 3 : i32
      %add3A_116 = arith.addi %mul3A_67, %add3A_115 : i32
      %dma_wait3A_117 = arith.constant 0 : i32
      %dma_wait3A_118 = tpu.memref_slice %arg7[%add3A_116, %dma_wait3A_117] : memref<80x128xi32, #tpu.memory_space<vmem>> -> memref<1x128xi32, #tpu.memory_space<vmem>>
      %dma_wait3A_119 = tpu.memref_squeeze %dma_wait3A_118 : memref<1x128xi32, #tpu.memory_space<vmem>> -> memref<128xi32, #tpu.memory_space<vmem>>
      %dma_wait3A_120 = arith.constant 0 : i32
      %dma_wait3A_121 = arith.constant 0 : i32
      %dma_wait3A_122 = tpu.memref_slice %arg2[%dma_wait3A_120, %dma_wait3A_121] : memref<10240x128xbf16, #tpu.memory_space<hbm>> -> memref<10240x128xbf16, #tpu.memory_space<hbm>>
      tpu.wait_indirect_dma semaphore(%arg16 : memref<!tpu.dma_semaphore, #tpu.memory_space<semaphore_mem>>) src(%dma_wait3A_122 : memref<10240x128xbf16, #tpu.memory_space<hbm>>) dst(%arg12 : memref<128x128xbf16, #tpu.memory_space<vmem>>)
      %add3A_123 = arith.constant 3 : i32
      %add3A_124 = arith.addi %mul3A_67, %add3A_123 : i32
      %dma_start3A_125 = arith.constant 0 : i32
      %dma_start3A_126 = tpu.memref_slice %arg8[%add3A_124, %dma_start3A_125] : memref<80x128xi32, #tpu.memory_space<vmem>> -> memref<1x128xi32, #tpu.memory_space<vmem>>
      %dma_start3A_127 = tpu.memref_squeeze %dma_start3A_126 : memref<1x128xi32, #tpu.memory_space<vmem>> -> memref<128xi32, #tpu.memory_space<vmem>>
      %dma_start3A_128 = arith.constant 0 : i32
      %dma_start3A_129 = arith.constant 0 : i32
      %dma_start3A_130 = tpu.memref_slice %arg21[%dma_start3A_128, %dma_start3A_129] : memref<10240x128xbf16, #tpu.memory_space<vmem_shared>> -> memref<10240x128xbf16, #tpu.memory_space<vmem_shared>>
      tpu.enqueue_indirect_dma source(%arg12 : memref<128x128xbf16, #tpu.memory_space<vmem>>) target(%dma_start3A_130 : memref<10240x128xbf16, #tpu.memory_space<vmem_shared>>) offsets(%dma_start3A_127 : memref<128xi32, #tpu.memory_space<vmem>>) semaphore(%arg20 : memref<!tpu.dma_semaphore, #tpu.memory_space<semaphore_mem>>) {add = true}
      %add3A_131 = arith.constant 0 : i32
      %add3A_132 = arith.addi %mul3A_67, %add3A_131 : i32
      %add3A_133 = arith.constant 4 : i32
      %add3A_134 = arith.addi %add3A_132, %add3A_133 : i32
      %lt3A = arith.constant 80 : i32
      %lt3A_135 = arith.cmpi slt, %add3A_134, %lt3A : i32
      %convert_element_type3A = arith.extui %lt3A_135 : i1 to i32
      %cond3A = arith.constant 0 : i32
      %cond3A_136 = arith.cmpi ne, %convert_element_type3A, %cond3A : i32
      scf.if %cond3A_136 {
        %add3A_164 = arith.constant 0 : i32
        %add3A_165 = arith.addi %mul3A_67, %add3A_164 : i32
        %dma_wait3A_166 = arith.constant 0 : i32
        %dma_wait3A_167 = tpu.memref_slice %arg8[%add3A_165, %dma_wait3A_166] : memref<80x128xi32, #tpu.memory_space<vmem>> -> memref<1x128xi32, #tpu.memory_space<vmem>>
        %dma_wait3A_168 = tpu.memref_squeeze %dma_wait3A_167 : memref<1x128xi32, #tpu.memory_space<vmem>> -> memref<128xi32, #tpu.memory_space<vmem>>
        %dma_wait3A_169 = arith.constant 0 : i32
        %dma_wait3A_170 = arith.constant 0 : i32
        %dma_wait3A_171 = tpu.memref_slice %arg21[%dma_wait3A_169, %dma_wait3A_170] : memref<10240x128xbf16, #tpu.memory_space<vmem_shared>> -> memref<10240x128xbf16, #tpu.memory_space<vmem_shared>>
        tpu.wait_indirect_dma semaphore(%arg17 : memref<!tpu.dma_semaphore, #tpu.memory_space<semaphore_mem>>) src(%arg9 : memref<128x128xbf16, #tpu.memory_space<vmem>>) dst(%dma_wait3A_171 : memref<10240x128xbf16, #tpu.memory_space<vmem_shared>>)
        %add3A_172 = arith.constant 0 : i32
        %add3A_173 = arith.addi %mul3A_67, %add3A_172 : i32
        %add3A_174 = arith.constant 4 : i32
        %add3A_175 = arith.addi %add3A_173, %add3A_174 : i32
        %dma_start3A_176 = arith.constant 0 : i32
        %dma_start3A_177 = tpu.memref_slice %arg7[%add3A_175, %dma_start3A_176] : memref<80x128xi32, #tpu.memory_space<vmem>> -> memref<1x128xi32, #tpu.memory_space<vmem>>
        %dma_start3A_178 = tpu.memref_squeeze %dma_start3A_177 : memref<1x128xi32, #tpu.memory_space<vmem>> -> memref<128xi32, #tpu.memory_space<vmem>>
        %dma_start3A_179 = arith.constant 0 : i32
        %dma_start3A_180 = arith.constant 0 : i32
        %dma_start3A_181 = tpu.memref_slice %arg2[%dma_start3A_179, %dma_start3A_180] : memref<10240x128xbf16, #tpu.memory_space<hbm>> -> memref<10240x128xbf16, #tpu.memory_space<hbm>>
        tpu.enqueue_indirect_dma source(%dma_start3A_181 : memref<10240x128xbf16, #tpu.memory_space<hbm>>) target(%arg9 : memref<128x128xbf16, #tpu.memory_space<vmem>>) offsets(%dma_start3A_178 : memref<128xi32, #tpu.memory_space<vmem>>) semaphore(%arg13 : memref<!tpu.dma_semaphore, #tpu.memory_space<semaphore_mem>>)
      } else {
      }
      %add3A_137 = arith.constant 1 : i32
      %add3A_138 = arith.addi %mul3A_67, %add3A_137 : i32
      %add3A_139 = arith.constant 4 : i32
      %add3A_140 = arith.addi %add3A_138, %add3A_139 : i32
      %lt3A_141 = arith.constant 80 : i32
      %lt3A_142 = arith.cmpi slt, %add3A_140, %lt3A_141 : i32
      %convert_element_type3A_143 = arith.extui %lt3A_142 : i1 to i32
      %cond3A_144 = arith.constant 0 : i32
      %cond3A_145 = arith.cmpi ne, %convert_element_type3A_143, %cond3A_144 : i32
      scf.if %cond3A_145 {
        %add3A_164 = arith.constant 1 : i32
        %add3A_165 = arith.addi %mul3A_67, %add3A_164 : i32
        %dma_wait3A_166 = arith.constant 0 : i32
        %dma_wait3A_167 = tpu.memref_slice %arg8[%add3A_165, %dma_wait3A_166] : memref<80x128xi32, #tpu.memory_space<vmem>> -> memref<1x128xi32, #tpu.memory_space<vmem>>
        %dma_wait3A_168 = tpu.memref_squeeze %dma_wait3A_167 : memref<1x128xi32, #tpu.memory_space<vmem>> -> memref<128xi32, #tpu.memory_space<vmem>>
        %dma_wait3A_169 = arith.constant 0 : i32
        %dma_wait3A_170 = arith.constant 0 : i32
        %dma_wait3A_171 = tpu.memref_slice %arg21[%dma_wait3A_169, %dma_wait3A_170] : memref<10240x128xbf16, #tpu.memory_space<vmem_shared>> -> memref<10240x128xbf16, #tpu.memory_space<vmem_shared>>
        tpu.wait_indirect_dma semaphore(%arg18 : memref<!tpu.dma_semaphore, #tpu.memory_space<semaphore_mem>>) src(%arg10 : memref<128x128xbf16, #tpu.memory_space<vmem>>) dst(%dma_wait3A_171 : memref<10240x128xbf16, #tpu.memory_space<vmem_shared>>)
        %add3A_172 = arith.constant 1 : i32
        %add3A_173 = arith.addi %mul3A_67, %add3A_172 : i32
        %add3A_174 = arith.constant 4 : i32
        %add3A_175 = arith.addi %add3A_173, %add3A_174 : i32
        %dma_start3A_176 = arith.constant 0 : i32
        %dma_start3A_177 = tpu.memref_slice %arg7[%add3A_175, %dma_start3A_176] : memref<80x128xi32, #tpu.memory_space<vmem>> -> memref<1x128xi32, #tpu.memory_space<vmem>>
        %dma_start3A_178 = tpu.memref_squeeze %dma_start3A_177 : memref<1x128xi32, #tpu.memory_space<vmem>> -> memref<128xi32, #tpu.memory_space<vmem>>
        %dma_start3A_179 = arith.constant 0 : i32
        %dma_start3A_180 = arith.constant 0 : i32
        %dma_start3A_181 = tpu.memref_slice %arg2[%dma_start3A_179, %dma_start3A_180] : memref<10240x128xbf16, #tpu.memory_space<hbm>> -> memref<10240x128xbf16, #tpu.memory_space<hbm>>
        tpu.enqueue_indirect_dma source(%dma_start3A_181 : memref<10240x128xbf16, #tpu.memory_space<hbm>>) target(%arg10 : memref<128x128xbf16, #tpu.memory_space<vmem>>) offsets(%dma_start3A_178 : memref<128xi32, #tpu.memory_space<vmem>>) semaphore(%arg14 : memref<!tpu.dma_semaphore, #tpu.memory_space<semaphore_mem>>)
      } else {
      }
      %add3A_146 = arith.constant 2 : i32
      %add3A_147 = arith.addi %mul3A_67, %add3A_146 : i32
      %add3A_148 = arith.constant 4 : i32
      %add3A_149 = arith.addi %add3A_147, %add3A_148 : i32
      %lt3A_150 = arith.constant 80 : i32
      %lt3A_151 = arith.cmpi slt, %add3A_149, %lt3A_150 : i32
      %convert_element_type3A_152 = arith.extui %lt3A_151 : i1 to i32
      %cond3A_153 = arith.constant 0 : i32
      %cond3A_154 = arith.cmpi ne, %convert_element_type3A_152, %cond3A_153 : i32
      scf.if %cond3A_154 {
        %add3A_164 = arith.constant 2 : i32
        %add3A_165 = arith.addi %mul3A_67, %add3A_164 : i32
        %dma_wait3A_166 = arith.constant 0 : i32
        %dma_wait3A_167 = tpu.memref_slice %arg8[%add3A_165, %dma_wait3A_166] : memref<80x128xi32, #tpu.memory_space<vmem>> -> memref<1x128xi32, #tpu.memory_space<vmem>>
        %dma_wait3A_168 = tpu.memref_squeeze %dma_wait3A_167 : memref<1x128xi32, #tpu.memory_space<vmem>> -> memref<128xi32, #tpu.memory_space<vmem>>
        %dma_wait3A_169 = arith.constant 0 : i32
        %dma_wait3A_170 = arith.constant 0 : i32
        %dma_wait3A_171 = tpu.memref_slice %arg21[%dma_wait3A_169, %dma_wait3A_170] : memref<10240x128xbf16, #tpu.memory_space<vmem_shared>> -> memref<10240x128xbf16, #tpu.memory_space<vmem_shared>>
        tpu.wait_indirect_dma semaphore(%arg19 : memref<!tpu.dma_semaphore, #tpu.memory_space<semaphore_mem>>) src(%arg11 : memref<128x128xbf16, #tpu.memory_space<vmem>>) dst(%dma_wait3A_171 : memref<10240x128xbf16, #tpu.memory_space<vmem_shared>>)
        %add3A_172 = arith.constant 2 : i32
        %add3A_173 = arith.addi %mul3A_67, %add3A_172 : i32
        %add3A_174 = arith.constant 4 : i32
        %add3A_175 = arith.addi %add3A_173, %add3A_174 : i32
        %dma_start3A_176 = arith.constant 0 : i32
        %dma_start3A_177 = tpu.memref_slice %arg7[%add3A_175, %dma_start3A_176] : memref<80x128xi32, #tpu.memory_space<vmem>> -> memref<1x128xi32, #tpu.memory_space<vmem>>
        %dma_start3A_178 = tpu.memref_squeeze %dma_start3A_177 : memref<1x128xi32, #tpu.memory_space<vmem>> -> memref<128xi32, #tpu.memory_space<vmem>>
        %dma_start3A_179 = arith.constant 0 : i32
        %dma_start3A_180 = arith.constant 0 : i32
        %dma_start3A_181 = tpu.memref_slice %arg2[%dma_start3A_179, %dma_start3A_180] : memref<10240x128xbf16, #tpu.memory_space<hbm>> -> memref<10240x128xbf16, #tpu.memory_space<hbm>>
        tpu.enqueue_indirect_dma source(%dma_start3A_181 : memref<10240x128xbf16, #tpu.memory_space<hbm>>) target(%arg11 : memref<128x128xbf16, #tpu.memory_space<vmem>>) offsets(%dma_start3A_178 : memref<128xi32, #tpu.memory_space<vmem>>) semaphore(%arg15 : memref<!tpu.dma_semaphore, #tpu.memory_space<semaphore_mem>>)
      } else {
      }
      %add3A_155 = arith.constant 3 : i32
      %add3A_156 = arith.addi %mul3A_67, %add3A_155 : i32
      %add3A_157 = arith.constant 4 : i32
      %add3A_158 = arith.addi %add3A_156, %add3A_157 : i32
      %lt3A_159 = arith.constant 80 : i32
      %lt3A_160 = arith.cmpi slt, %add3A_158, %lt3A_159 : i32
      %convert_element_type3A_161 = arith.extui %lt3A_160 : i1 to i32
      %cond3A_162 = arith.constant 0 : i32
      %cond3A_163 = arith.cmpi ne, %convert_element_type3A_161, %cond3A_162 : i32
      scf.if %cond3A_163 {
        %add3A_164 = arith.constant 3 : i32
        %add3A_165 = arith.addi %mul3A_67, %add3A_164 : i32
        %dma_wait3A_166 = arith.constant 0 : i32
        %dma_wait3A_167 = tpu.memref_slice %arg8[%add3A_165, %dma_wait3A_166] : memref<80x128xi32, #tpu.memory_space<vmem>> -> memref<1x128xi32, #tpu.memory_space<vmem>>
        %dma_wait3A_168 = tpu.memref_squeeze %dma_wait3A_167 : memref<1x128xi32, #tpu.memory_space<vmem>> -> memref<128xi32, #tpu.memory_space<vmem>>
        %dma_wait3A_169 = arith.constant 0 : i32
        %dma_wait3A_170 = arith.constant 0 : i32
        %dma_wait3A_171 = tpu.memref_slice %arg21[%dma_wait3A_169, %dma_wait3A_170] : memref<10240x128xbf16, #tpu.memory_space<vmem_shared>> -> memref<10240x128xbf16, #tpu.memory_space<vmem_shared>>
        tpu.wait_indirect_dma semaphore(%arg20 : memref<!tpu.dma_semaphore, #tpu.memory_space<semaphore_mem>>) src(%arg12 : memref<128x128xbf16, #tpu.memory_space<vmem>>) dst(%dma_wait3A_171 : memref<10240x128xbf16, #tpu.memory_space<vmem_shared>>)
        %add3A_172 = arith.constant 3 : i32
        %add3A_173 = arith.addi %mul3A_67, %add3A_172 : i32
        %add3A_174 = arith.constant 4 : i32
        %add3A_175 = arith.addi %add3A_173, %add3A_174 : i32
        %dma_start3A_176 = arith.constant 0 : i32
        %dma_start3A_177 = tpu.memref_slice %arg7[%add3A_175, %dma_start3A_176] : memref<80x128xi32, #tpu.memory_space<vmem>> -> memref<1x128xi32, #tpu.memory_space<vmem>>
        %dma_start3A_178 = tpu.memref_squeeze %dma_start3A_177 : memref<1x128xi32, #tpu.memory_space<vmem>> -> memref<128xi32, #tpu.memory_space<vmem>>
        %dma_start3A_179 = arith.constant 0 : i32
        %dma_start3A_180 = arith.constant 0 : i32
        %dma_start3A_181 = tpu.memref_slice %arg2[%dma_start3A_179, %dma_start3A_180] : memref<10240x128xbf16, #tpu.memory_space<hbm>> -> memref<10240x128xbf16, #tpu.memory_space<hbm>>
        tpu.enqueue_indirect_dma source(%dma_start3A_181 : memref<10240x128xbf16, #tpu.memory_space<hbm>>) target(%arg12 : memref<128x128xbf16, #tpu.memory_space<vmem>>) offsets(%dma_start3A_178 : memref<128xi32, #tpu.memory_space<vmem>>) semaphore(%arg16 : memref<!tpu.dma_semaphore, #tpu.memory_space<semaphore_mem>>)
      } else {
      }
    }
    %scan3A_32 = arith.constant 20 : i32
    %dma_wait3A = arith.constant 76 : i32
    %dma_wait3A_33 = arith.constant 0 : i32
    %dma_wait3A_34 = tpu.memref_slice %arg8[%dma_wait3A, %dma_wait3A_33] : memref<80x128xi32, #tpu.memory_space<vmem>> -> memref<1x128xi32, #tpu.memory_space<vmem>>
    %dma_wait3A_35 = tpu.memref_squeeze %dma_wait3A_34 : memref<1x128xi32, #tpu.memory_space<vmem>> -> memref<128xi32, #tpu.memory_space<vmem>>
    %dma_wait3A_36 = arith.constant 0 : i32
    %dma_wait3A_37 = arith.constant 0 : i32
    %dma_wait3A_38 = tpu.memref_slice %arg21[%dma_wait3A_36, %dma_wait3A_37] : memref<10240x128xbf16, #tpu.memory_space<vmem_shared>> -> memref<10240x128xbf16, #tpu.memory_space<vmem_shared>>
    tpu.wait_indirect_dma semaphore(%arg17 : memref<!tpu.dma_semaphore, #tpu.memory_space<semaphore_mem>>) src(%arg9 : memref<128x128xbf16, #tpu.memory_space<vmem>>) dst(%dma_wait3A_38 : memref<10240x128xbf16, #tpu.memory_space<vmem_shared>>)
    %dma_wait3A_39 = arith.constant 77 : i32
    %dma_wait3A_40 = arith.constant 0 : i32
    %dma_wait3A_41 = tpu.memref_slice %arg8[%dma_wait3A_39, %dma_wait3A_40] : memref<80x128xi32, #tpu.memory_space<vmem>> -> memref<1x128xi32, #tpu.memory_space<vmem>>
    %dma_wait3A_42 = tpu.memref_squeeze %dma_wait3A_41 : memref<1x128xi32, #tpu.memory_space<vmem>> -> memref<128xi32, #tpu.memory_space<vmem>>
    %dma_wait3A_43 = arith.constant 0 : i32
    %dma_wait3A_44 = arith.constant 0 : i32
    %dma_wait3A_45 = tpu.memref_slice %arg21[%dma_wait3A_43, %dma_wait3A_44] : memref<10240x128xbf16, #tpu.memory_space<vmem_shared>> -> memref<10240x128xbf16, #tpu.memory_space<vmem_shared>>
    tpu.wait_indirect_dma semaphore(%arg18 : memref<!tpu.dma_semaphore, #tpu.memory_space<semaphore_mem>>) src(%arg10 : memref<128x128xbf16, #tpu.memory_space<vmem>>) dst(%dma_wait3A_45 : memref<10240x128xbf16, #tpu.memory_space<vmem_shared>>)
    %dma_wait3A_46 = arith.constant 78 : i32
    %dma_wait3A_47 = arith.constant 0 : i32
    %dma_wait3A_48 = tpu.memref_slice %arg8[%dma_wait3A_46, %dma_wait3A_47] : memref<80x128xi32, #tpu.memory_space<vmem>> -> memref<1x128xi32, #tpu.memory_space<vmem>>
    %dma_wait3A_49 = tpu.memref_squeeze %dma_wait3A_48 : memref<1x128xi32, #tpu.memory_space<vmem>> -> memref<128xi32, #tpu.memory_space<vmem>>
    %dma_wait3A_50 = arith.constant 0 : i32
    %dma_wait3A_51 = arith.constant 0 : i32
    %dma_wait3A_52 = tpu.memref_slice %arg21[%dma_wait3A_50, %dma_wait3A_51] : memref<10240x128xbf16, #tpu.memory_space<vmem_shared>> -> memref<10240x128xbf16, #tpu.memory_space<vmem_shared>>
    tpu.wait_indirect_dma semaphore(%arg19 : memref<!tpu.dma_semaphore, #tpu.memory_space<semaphore_mem>>) src(%arg11 : memref<128x128xbf16, #tpu.memory_space<vmem>>) dst(%dma_wait3A_52 : memref<10240x128xbf16, #tpu.memory_space<vmem_shared>>)
    %dma_wait3A_53 = arith.constant 79 : i32
    %dma_wait3A_54 = arith.constant 0 : i32
    %dma_wait3A_55 = tpu.memref_slice %arg8[%dma_wait3A_53, %dma_wait3A_54] : memref<80x128xi32, #tpu.memory_space<vmem>> -> memref<1x128xi32, #tpu.memory_space<vmem>>
    %dma_wait3A_56 = tpu.memref_squeeze %dma_wait3A_55 : memref<1x128xi32, #tpu.memory_space<vmem>> -> memref<128xi32, #tpu.memory_space<vmem>>
    %dma_wait3A_57 = arith.constant 0 : i32
    %dma_wait3A_58 = arith.constant 0 : i32
    %dma_wait3A_59 = tpu.memref_slice %arg21[%dma_wait3A_57, %dma_wait3A_58] : memref<10240x128xbf16, #tpu.memory_space<vmem_shared>> -> memref<10240x128xbf16, #tpu.memory_space<vmem_shared>>
    tpu.wait_indirect_dma semaphore(%arg20 : memref<!tpu.dma_semaphore, #tpu.memory_space<semaphore_mem>>) src(%arg12 : memref<128x128xbf16, #tpu.memory_space<vmem>>) dst(%dma_wait3A_59 : memref<10240x128xbf16, #tpu.memory_space<vmem_shared>>)
    %barrier3A_60 = arith.constant 0 : index
    tpu.barrier barrier_id(%barrier3A_60)
    %mul3A_61 = arith.constant 640 : i32
    %mul3A_62 = arith.muli %arg1, %mul3A_61 : i32
    %mul3A_63 = arith.constant 640 : i32
    %mul3A_64 = arith.muli %arg1, %mul3A_63 : i32
    "tpu.region"() ({
      %run_scoped3A = tpu.sem_alloc : memref<!tpu.dma_semaphore, #tpu.memory_space<semaphore_mem>>
      %dma_start3A_65 = arith.constant 0 : i32
      %dma_start3A_66 = tpu.memref_slice %arg6[%arg0, %mul3A_64, %dma_start3A_65] : memref<2x10240x128xbf16, #tpu.memory_space<hbm>> -> memref<1x640x128xbf16, #tpu.memory_space<hbm>>
      %dma_start3A_67 = tpu.memref_squeeze %dma_start3A_66 : memref<1x640x128xbf16, #tpu.memory_space<hbm>> -> memref<640x128xbf16, #tpu.memory_space<hbm>>
      %dma_start3A_68 = arith.constant 0 : i32
      %dma_start3A_69 = tpu.memref_slice %arg21[%mul3A_62, %dma_start3A_68] : memref<10240x128xbf16, #tpu.memory_space<vmem_shared>> -> memref<640x128xbf16, #tpu.memory_space<vmem_shared>>
      tpu.enqueue_dma source(%dma_start3A_69 : memref<640x128xbf16, #tpu.memory_space<vmem_shared>>) target(%dma_start3A_67 : memref<640x128xbf16, #tpu.memory_space<hbm>>) target_semaphore(%run_scoped3A : memref<!tpu.dma_semaphore, #tpu.memory_space<semaphore_mem>>)
      %dma_wait3A_70 = arith.constant 0 : i32
      %dma_wait3A_71 = tpu.memref_slice %arg6[%arg0, %mul3A_64, %dma_wait3A_70] : memref<2x10240x128xbf16, #tpu.memory_space<hbm>> -> memref<1x640x128xbf16, #tpu.memory_space<hbm>>
      %dma_wait3A_72 = tpu.memref_squeeze %dma_wait3A_71 : memref<1x640x128xbf16, #tpu.memory_space<hbm>> -> memref<640x128xbf16, #tpu.memory_space<hbm>>
      %dma_wait3A_73 = arith.constant 0 : i32
      %dma_wait3A_74 = tpu.memref_slice %arg21[%mul3A_62, %dma_wait3A_73] : memref<10240x128xbf16, #tpu.memory_space<vmem_shared>> -> memref<640x128xbf16, #tpu.memory_space<vmem_shared>>
      tpu.wait_dma2 semaphore(%run_scoped3A : memref<!tpu.dma_semaphore, #tpu.memory_space<semaphore_mem>>) src(%dma_wait3A_74 : memref<640x128xbf16, #tpu.memory_space<vmem_shared>>) dst(%dma_wait3A_72 : memref<640x128xbf16, #tpu.memory_space<hbm>>)
      tpu.yield
    }) : () -> ()
    return
  }
}

module attributes {stable_mosaic.version = 14 : i64} {
  func.func @_tc1_body(%arg0: i32, %arg1: memref<1000x128xf32, #tpu.memory_space<vmem>>, %arg2: memref<2x1000x16xf32, #tpu.memory_space<vmem>>, %arg3: memref<1000x128xbf16, #tpu.memory_space<vmem>>) attributes {dimension_semantics = [#tpu.dimension_semantics<arbitrary>], iteration_bounds = array<i64: 10>, scalar_prefetch = 0 : i64, scratch_operands = 0 : i64, tpu.core_type = #tpu.core_type<tc>, window_params = [{transform_indices = @transform_0, window_bounds = array<i64: 1000, 128>}, {transform_indices = @transform_1, window_bounds = array<i64: 2, 1000, 16>}, {transform_indices = @transform_2, window_bounds = array<i64: 1000, 128>}]} {
    %get3A = arith.constant 0 : index
    %get3A_0 = arith.constant 0 : index
    %get3A_1 = arith.constant 0 : index
    %get3A_2 = vector.load %arg2[%get3A, %get3A_0, %get3A_1] : memref<2x1000x16xf32, #tpu.memory_space<vmem>>, vector<1x1000x1xf32>
    %get3A_3 = vector.shape_cast %get3A_2 : vector<1x1000x1xf32> to vector<1000x1xf32>
    %get3A_4 = arith.constant 1 : index
    %get3A_5 = arith.constant 0 : index
    %get3A_6 = arith.constant 0 : index
    %get3A_7 = vector.load %arg2[%get3A_4, %get3A_5, %get3A_6] : memref<2x1000x16xf32, #tpu.memory_space<vmem>>, vector<1x1000x1xf32>
    %get3A_8 = vector.shape_cast %get3A_7 : vector<1x1000x1xf32> to vector<1000x1xf32>
    %add3A = arith.addf %get3A_3, %get3A_8 : vector<1000x1xf32>
    %add3A_9 = arith.constant 1.000000e+00 : f32
    %add3A_10 = vector.broadcast %add3A_9 : f32 to vector<1000x1xf32>
    %add3A_11 = arith.addf %add3A, %add3A_10 : vector<1000x1xf32>
    %rsqrt3A = math.rsqrt %add3A_11 : vector<1000x1xf32>
    %get3A_12 = arith.constant 0 : index
    %get3A_13 = arith.constant 0 : index
    %get3A_14 = vector.load %arg1[%get3A_12, %get3A_13] : memref<1000x128xf32, #tpu.memory_space<vmem>>, vector<1000x128xf32>
    %mul3A = vector.broadcast %rsqrt3A : vector<1000x1xf32> to vector<1000x128xf32>
    %mul3A_15 = arith.mulf %get3A_14, %mul3A : vector<1000x128xf32>
    %convert_element_type3A = arith.truncf %mul3A_15 : vector<1000x128xf32> to vector<1000x128xbf16>
    %swap3A = arith.constant 0 : index
    %swap3A_16 = arith.constant 0 : index
    %swap3A_17 = vector.load %arg3[%swap3A, %swap3A_16] : memref<1000x128xbf16, #tpu.memory_space<vmem>>, vector<1000x128xbf16>
    tpu.vector_store %arg3[%swap3A, %swap3A_16], %convert_element_type3A {strides = array<i32>} : memref<1000x128xbf16, #tpu.memory_space<vmem>>, vector<1000x128xbf16>,
    return
  }
  func.func @transform_0(%arg0: i32) -> (i32, i32) {
    %c0_i32 = arith.constant 0 : i32
    %c0_i32_0 = arith.constant 0 : i32
    return %arg0, %c0_i32 : i32, i32
  }
  func.func @transform_1(%arg0: i32) -> (i32, i32, i32) {
    %c0_i32 = arith.constant 0 : i32
    %c0_i32_0 = arith.constant 0 : i32
    %c0_i32_1 = arith.constant 0 : i32
    return %c0_i32, %arg0, %c0_i32_0 : i32, i32, i32
  }
  func.func @transform_2(%arg0: i32) -> (i32, i32) {
    %c0_i32 = arith.constant 0 : i32
    %c0_i32_0 = arith.constant 0 : i32
    return %arg0, %c0_i32 : i32, i32
  }
}

module attributes {stable_mosaic.version = 14 : i64} {
  func.func @_tc2_body(%arg0: i32, %arg1: memref<2x1000x128xbf16, #tpu.memory_space<vmem>>, %arg2: memref<1000x128xbf16, #tpu.memory_space<vmem>>, %arg3: memref<2x1000x16xf32, #tpu.memory_space<vmem>>, %arg4: memref<1x256xf32, #tpu.memory_space<vmem>>, %arg5: memref<128x256xf32, #tpu.memory_space<vmem>>, %arg6: memref<256x128xf32, #tpu.memory_space<vmem>>, %arg7: memref<1000x128xbf16, #tpu.memory_space<vmem>>) attributes {dimension_semantics = [#tpu.dimension_semantics<arbitrary>], iteration_bounds = array<i64: 10>, scalar_prefetch = 0 : i64, scratch_operands = 0 : i64, tpu.core_type = #tpu.core_type<tc>, window_params = [{transform_indices = @transform_0, window_bounds = array<i64: 2, 1000, 128>}, {transform_indices = @transform_1, window_bounds = array<i64: 1000, 128>}, {transform_indices = @transform_2, window_bounds = array<i64: 2, 1000, 16>}, {pipeline_mode = #tpu.pipeline_mode<synchronous>, transform_indices = @transform_3, window_bounds = array<i64: 1, 256>}, {pipeline_mode = #tpu.pipeline_mode<synchronous>, transform_indices = @transform_4, window_bounds = array<i64: 128, 256>}, {pipeline_mode = #tpu.pipeline_mode<synchronous>, transform_indices = @transform_5, window_bounds = array<i64: 256, 128>}, {transform_indices = @transform_6, window_bounds = array<i64: 1000, 128>}]} {
    %get3A = arith.constant 0 : index
    %get3A_0 = arith.constant 0 : index
    %get3A_1 = arith.constant 0 : index
    %get3A_2 = vector.load %arg3[%get3A, %get3A_0, %get3A_1] : memref<2x1000x16xf32, #tpu.memory_space<vmem>>, vector<1x1000x1xf32>
    %get3A_3 = vector.shape_cast %get3A_2 : vector<1x1000x1xf32> to vector<1000x1xf32>
    %get3A_4 = arith.constant 1 : index
    %get3A_5 = arith.constant 0 : index
    %get3A_6 = arith.constant 0 : index
    %get3A_7 = vector.load %arg3[%get3A_4, %get3A_5, %get3A_6] : memref<2x1000x16xf32, #tpu.memory_space<vmem>>, vector<1x1000x1xf32>
    %get3A_8 = vector.shape_cast %get3A_7 : vector<1x1000x1xf32> to vector<1000x1xf32>
    %add3A = arith.addf %get3A_3, %get3A_8 : vector<1000x1xf32>
    %add3A_9 = arith.constant 1.000000e+00 : f32
    %add3A_10 = vector.broadcast %add3A_9 : f32 to vector<1000x1xf32>
    %add3A_11 = arith.addf %add3A, %add3A_10 : vector<1000x1xf32>
    %rsqrt3A = math.rsqrt %add3A_11 : vector<1000x1xf32>
    %get3A_12 = arith.constant 0 : index
    %get3A_13 = arith.constant 0 : index
    %get3A_14 = arith.constant 0 : index
    %get3A_15 = vector.load %arg1[%get3A_12, %get3A_13, %get3A_14] : memref<2x1000x128xbf16, #tpu.memory_space<vmem>>, vector<1x1000x128xbf16>
    %get3A_16 = vector.shape_cast %get3A_15 : vector<1x1000x128xbf16> to vector<1000x128xbf16>
    %convert_element_type3A = arith.extf %get3A_16 : vector<1000x128xbf16> to vector<1000x128xf32>
    %get3A_17 = arith.constant 1 : index
    %get3A_18 = arith.constant 0 : index
    %get3A_19 = arith.constant 0 : index
    %get3A_20 = vector.load %arg1[%get3A_17, %get3A_18, %get3A_19] : memref<2x1000x128xbf16, #tpu.memory_space<vmem>>, vector<1x1000x128xbf16>
    %get3A_21 = vector.shape_cast %get3A_20 : vector<1x1000x128xbf16> to vector<1000x128xbf16>
    %convert_element_type3A_22 = arith.extf %get3A_21 : vector<1000x128xbf16> to vector<1000x128xf32>
    %add3A_23 = arith.addf %convert_element_type3A, %convert_element_type3A_22 : vector<1000x128xf32>
    %get3A_24 = arith.constant 0 : index
    %get3A_25 = arith.constant 0 : index
    %get3A_26 = vector.load %arg2[%get3A_24, %get3A_25] : memref<1000x128xbf16, #tpu.memory_space<vmem>>, vector<1000x128xbf16>
    %convert_element_type3A_27 = arith.extf %get3A_26 : vector<1000x128xbf16> to vector<1000x128xf32>
    %add3A_28 = arith.addf %add3A_23, %convert_element_type3A_27 : vector<1000x128xf32>
    %mul3A = vector.broadcast %rsqrt3A : vector<1000x1xf32> to vector<1000x128xf32>
    %mul3A_29 = arith.mulf %mul3A, %add3A_28 : vector<1000x128xf32>
    %get3A_30 = arith.constant 0 : index
    %get3A_31 = arith.constant 0 : index
    %get3A_32 = vector.load %arg5[%get3A_30, %get3A_31] : memref<128x256xf32, #tpu.memory_space<vmem>>, vector<128x256xf32>
    %dot_general3A = arith.constant dense<0.000000e+00> : vector<1000x256xf32>
    %dot_general3A_33 = tpu.matmul %mul3A_29, %get3A_32, %dot_general3A {dimension_numbers = #tpu.dot_dimension_numbers<[1], [0], [0], [1], [0, 0, 1, 1], [], []>, transpose_lhs_hint = false} : vector<1000x128xf32>, vector<128x256xf32>, vector<1000x256xf32> -> vector<1000x256xf32>
    %get3A_34 = arith.constant 0 : index
    %get3A_35 = arith.constant 0 : index
    %get3A_36 = vector.load %arg4[%get3A_34, %get3A_35] : memref<1x256xf32, #tpu.memory_space<vmem>>, vector<1x256xf32>
    %get3A_37 = vector.shape_cast %get3A_36 : vector<1x256xf32> to vector<256xf32>
    %broadcast_in_dim3A = vector.shape_cast %get3A_37 : vector<256xf32> to vector<1x256xf32>
    %add3A_38 = vector.broadcast %broadcast_in_dim3A : vector<1x256xf32> to vector<1000x256xf32>
    %add3A_39 = arith.addf %dot_general3A_33, %add3A_38 : vector<1000x256xf32>
    %max3A = arith.constant 0.000000e+00 : f32
    %max3A_40 = vector.broadcast %max3A : f32 to vector<1000x256xf32>
    %max3A_41 = arith.maximumf %add3A_39, %max3A_40 : vector<1000x256xf32>
    %get3A_42 = arith.constant 0 : index
    %get3A_43 = arith.constant 0 : index
    %get3A_44 = vector.load %arg6[%get3A_42, %get3A_43] : memref<256x128xf32, #tpu.memory_space<vmem>>, vector<256x128xf32>
    %dot_general3A_45 = arith.constant dense<0.000000e+00> : vector<1000x128xf32>
    %dot_general3A_46 = tpu.matmul %max3A_41, %get3A_44, %dot_general3A_45 {dimension_numbers = #tpu.dot_dimension_numbers<[1], [0], [0], [1], [0, 0, 1, 1], [], []>, transpose_lhs_hint = false} : vector<1000x256xf32>, vector<256x128xf32>, vector<1000x128xf32> -> vector<1000x128xf32>
    %mul3A_47 = vector.broadcast %rsqrt3A : vector<1000x1xf32> to vector<1000x128xf32>
    %mul3A_48 = arith.mulf %dot_general3A_46, %mul3A_47 : vector<1000x128xf32>
    %convert_element_type3A_49 = arith.truncf %mul3A_48 : vector<1000x128xf32> to vector<1000x128xbf16>
    %swap3A = arith.constant 0 : index
    %swap3A_50 = arith.constant 0 : index
    %swap3A_51 = vector.load %arg7[%swap3A, %swap3A_50] : memref<1000x128xbf16, #tpu.memory_space<vmem>>, vector<1000x128xbf16>
    tpu.vector_store %arg7[%swap3A, %swap3A_50], %convert_element_type3A_49 {strides = array<i32>} : memref<1000x128xbf16, #tpu.memory_space<vmem>>, vector<1000x128xbf16>,
    return
  }
  func.func @transform_0(%arg0: i32) -> (i32, i32, i32) {
    %c0_i32 = arith.constant 0 : i32
    %c0_i32_0 = arith.constant 0 : i32
    %c0_i32_1 = arith.constant 0 : i32
    return %c0_i32, %arg0, %c0_i32_0 : i32, i32, i32
  }
  func.func @transform_1(%arg0: i32) -> (i32, i32) {
    %c0_i32 = arith.constant 0 : i32
    %c0_i32_0 = arith.constant 0 : i32
    return %arg0, %c0_i32 : i32, i32
  }
  func.func @transform_2(%arg0: i32) -> (i32, i32, i32) {
    %c0_i32 = arith.constant 0 : i32
    %c0_i32_0 = arith.constant 0 : i32
    %c0_i32_1 = arith.constant 0 : i32
    return %c0_i32, %arg0, %c0_i32_0 : i32, i32, i32
  }
  func.func @transform_3(%arg0: i32) -> (i32, i32) {
    %c0_i32 = arith.constant 0 : i32
    %c0_i32_0 = arith.constant 0 : i32
    %c0_i32_1 = arith.constant 0 : i32
    return %c0_i32, %c0_i32_0 : i32, i32
  }
  func.func @transform_4(%arg0: i32) -> (i32, i32) {
    %c0_i32 = arith.constant 0 : i32
    %c0_i32_0 = arith.constant 0 : i32
    %c0_i32_1 = arith.constant 0 : i32
    return %c0_i32, %c0_i32_0 : i32, i32
  }
  func.func @transform_5(%arg0: i32) -> (i32, i32) {
    %c0_i32 = arith.constant 0 : i32
    %c0_i32_0 = arith.constant 0 : i32
    %c0_i32_1 = arith.constant 0 : i32
    return %c0_i32, %c0_i32_0 : i32, i32
  }
  func.func @transform_6(%arg0: i32) -> (i32, i32) {
    %c0_i32 = arith.constant 0 : i32
    %c0_i32_0 = arith.constant 0 : i32
    return %arg0, %c0_i32 : i32, i32
  }
}

module attributes {stable_mosaic.version = 14 : i64} {
  func.func @_tc3_body(%arg0: i32, %arg1: memref<2x1000x128xbf16, #tpu.memory_space<vmem>>, %arg2: memref<1000x128xbf16, #tpu.memory_space<vmem>>, %arg3: memref<2x1000x16xf32, #tpu.memory_space<vmem>>, %arg4: memref<1x128xf32, #tpu.memory_space<vmem>>, %arg5: memref<1000x128xf32, #tpu.memory_space<vmem>>) attributes {dimension_semantics = [#tpu.dimension_semantics<arbitrary>], iteration_bounds = array<i64: 10>, scalar_prefetch = 0 : i64, scratch_operands = 0 : i64, tpu.core_type = #tpu.core_type<tc>, window_params = [{transform_indices = @transform_0, window_bounds = array<i64: 2, 1000, 128>}, {transform_indices = @transform_1, window_bounds = array<i64: 1000, 128>}, {transform_indices = @transform_2, window_bounds = array<i64: 2, 1000, 16>}, {pipeline_mode = #tpu.pipeline_mode<synchronous>, transform_indices = @transform_3, window_bounds = array<i64: 1, 128>}, {transform_indices = @transform_4, window_bounds = array<i64: 1000, 128>}]} {
    %get3A = arith.constant 0 : index
    %get3A_0 = arith.constant 0 : index
    %get3A_1 = arith.constant 0 : index
    %get3A_2 = vector.load %arg3[%get3A, %get3A_0, %get3A_1] : memref<2x1000x16xf32, #tpu.memory_space<vmem>>, vector<1x1000x1xf32>
    %get3A_3 = vector.shape_cast %get3A_2 : vector<1x1000x1xf32> to vector<1000x1xf32>
    %get3A_4 = arith.constant 1 : index
    %get3A_5 = arith.constant 0 : index
    %get3A_6 = arith.constant 0 : index
    %get3A_7 = vector.load %arg3[%get3A_4, %get3A_5, %get3A_6] : memref<2x1000x16xf32, #tpu.memory_space<vmem>>, vector<1x1000x1xf32>
    %get3A_8 = vector.shape_cast %get3A_7 : vector<1x1000x1xf32> to vector<1000x1xf32>
    %add3A = arith.addf %get3A_3, %get3A_8 : vector<1000x1xf32>
    %add3A_9 = arith.constant 1.000000e+00 : f32
    %add3A_10 = vector.broadcast %add3A_9 : f32 to vector<1000x1xf32>
    %add3A_11 = arith.addf %add3A, %add3A_10 : vector<1000x1xf32>
    %rsqrt3A = math.rsqrt %add3A_11 : vector<1000x1xf32>
    %get3A_12 = arith.constant 0 : index
    %get3A_13 = arith.constant 0 : index
    %get3A_14 = arith.constant 0 : index
    %get3A_15 = vector.load %arg1[%get3A_12, %get3A_13, %get3A_14] : memref<2x1000x128xbf16, #tpu.memory_space<vmem>>, vector<1x1000x128xbf16>
    %get3A_16 = vector.shape_cast %get3A_15 : vector<1x1000x128xbf16> to vector<1000x128xbf16>
    %convert_element_type3A = arith.extf %get3A_16 : vector<1000x128xbf16> to vector<1000x128xf32>
    %get3A_17 = arith.constant 1 : index
    %get3A_18 = arith.constant 0 : index
    %get3A_19 = arith.constant 0 : index
    %get3A_20 = vector.load %arg1[%get3A_17, %get3A_18, %get3A_19] : memref<2x1000x128xbf16, #tpu.memory_space<vmem>>, vector<1x1000x128xbf16>
    %get3A_21 = vector.shape_cast %get3A_20 : vector<1x1000x128xbf16> to vector<1000x128xbf16>
    %convert_element_type3A_22 = arith.extf %get3A_21 : vector<1000x128xbf16> to vector<1000x128xf32>
    %add3A_23 = arith.addf %convert_element_type3A, %convert_element_type3A_22 : vector<1000x128xf32>
    %get3A_24 = arith.constant 0 : index
    %get3A_25 = arith.constant 0 : index
    %get3A_26 = vector.load %arg2[%get3A_24, %get3A_25] : memref<1000x128xbf16, #tpu.memory_space<vmem>>, vector<1000x128xbf16>
    %convert_element_type3A_27 = arith.extf %get3A_26 : vector<1000x128xbf16> to vector<1000x128xf32>
    %add3A_28 = arith.addf %add3A_23, %convert_element_type3A_27 : vector<1000x128xf32>
    %mul3A = vector.broadcast %rsqrt3A : vector<1000x1xf32> to vector<1000x128xf32>
    %mul3A_29 = arith.mulf %mul3A, %add3A_28 : vector<1000x128xf32>
    %get3A_30 = arith.constant 0 : index
    %get3A_31 = arith.constant 0 : index
    %get3A_32 = vector.load %arg4[%get3A_30, %get3A_31] : memref<1x128xf32, #tpu.memory_space<vmem>>, vector<1x128xf32>
    %get3A_33 = vector.shape_cast %get3A_32 : vector<1x128xf32> to vector<128xf32>
    %broadcast_in_dim3A = vector.shape_cast %get3A_33 : vector<128xf32> to vector<1x128xf32>
    %add3A_34 = vector.broadcast %broadcast_in_dim3A : vector<1x128xf32> to vector<1000x128xf32>
    %add3A_35 = arith.addf %mul3A_29, %add3A_34 : vector<1000x128xf32>
    %swap3A = arith.constant 0 : index
    %swap3A_36 = arith.constant 0 : index
    %swap3A_37 = vector.load %arg5[%swap3A, %swap3A_36] : memref<1000x128xf32, #tpu.memory_space<vmem>>, vector<1000x128xf32>
    tpu.vector_store %arg5[%swap3A, %swap3A_36], %add3A_35 {strides = array<i32>} : memref<1000x128xf32, #tpu.memory_space<vmem>>, vector<1000x128xf32>,
    return
  }
  func.func @transform_0(%arg0: i32) -> (i32, i32, i32) {
    %c0_i32 = arith.constant 0 : i32
    %c0_i32_0 = arith.constant 0 : i32
    %c0_i32_1 = arith.constant 0 : i32
    return %c0_i32, %arg0, %c0_i32_0 : i32, i32, i32
  }
  func.func @transform_1(%arg0: i32) -> (i32, i32) {
    %c0_i32 = arith.constant 0 : i32
    %c0_i32_0 = arith.constant 0 : i32
    return %arg0, %c0_i32 : i32, i32
  }
  func.func @transform_2(%arg0: i32) -> (i32, i32, i32) {
    %c0_i32 = arith.constant 0 : i32
    %c0_i32_0 = arith.constant 0 : i32
    %c0_i32_1 = arith.constant 0 : i32
    return %c0_i32, %arg0, %c0_i32_0 : i32, i32, i32
  }
  func.func @transform_3(%arg0: i32) -> (i32, i32) {
    %c0_i32 = arith.constant 0 : i32
    %c0_i32_0 = arith.constant 0 : i32
    %c0_i32_1 = arith.constant 0 : i32
    return %c0_i32, %c0_i32_0 : i32, i32
  }
  func.func @transform_4(%arg0: i32) -> (i32, i32) {
    %c0_i32 = arith.constant 0 : i32
    %c0_i32_0 = arith.constant 0 : i32
    return %arg0, %c0_i32 : i32, i32
  }
}

</mosaic_0001>

<sc_bundles>
// kernel: kernel.11.cloned.1.call-start
scs
__scs_entry_jumppad:
0x0: {  	(pc) =	sbr.rel $0x88, $3  }
0x1: {  	(tag) =	ssettag $0x0;
	lr =	simm.s32 $0x1  }
0x2: {  	[smem:$0x3F9B] =	sst lr;
	_ =	strace $0xD0000000  }
0x3: {  	_ = 	snop  }
0x4: {  	_ = 	snop  }
0x5: {  	_ = 	snop  }
0x6: {  	_ = 	snop  }
0x7: {  	_ = 	snop  }
__scs_overlays_trampoline_lowered:
0x8: {  	[smem:$0x3FAA] =	sst s0  }
0x9: {  	[smem:$0x3FAB] =	sst s1  }
0xa: {  	[smem:$0x3FAC] =	sst s2  }
0xb: {  	[smem:$0x3FAD] =	sst s3  }
0xc: {  	[smem:$0x3FAE] =	sst s4  }
0xd: {  	[smem:$0x3FAF] =	sst s5  }
0xe: {  	[smem:$0x3FB0] =	sst s6  }
0xf: {  	[smem:$0x3FB1] =	sst s7  }
0x10: {  	[smem:$0x3FB2] =	sst s8  }
0x11: {  	[smem:$0x3FB3] =	sst s9;
	s0 =	simm.s32 @!p0 $0x0  }
0x12: {  	s1 =	sld [smem:$0x3F99];
	s0 =	simm.s32 @p0 $0x1  }
0x13: {  	[smem:$0x3FB4] =	sst s0;
	s0 =	simm.s32 @!p1 $0x0  }
0x14: {  	s2 =	sld [smem:$0x3F98];
	s0 =	simm.s32 @p1 $0x1  }
0x15: {  	[smem:$0x3FB5] =	sst s0;
	s0 =	simm.s32 @!p2 $0x0  }
0x16: {  	s3 =	sld [smem:$0x3FDB];
	s0 =	simm.s32 @p2 $0x1  }
0x17: {  	s4 =	simm.s32 $0x1BF5;
	[smem:$0x3FB7] =	sst s0  }
0x18: {  	s0 =	sld [smem:$0x3F9A];
	_ =	swait.ge [sflag:s4], $0x0  }
0x19: {  	s7 =	sld [smem:$0x3F9B]  }
0x1a: {  	s8 =	sadd.s32 $0xFFFFE003, lr  }
0x1b: {  	s9 =	sadd.s32 $0xFFFFFEF7, lr;
	s5 =	simm.s32 $0xFFFFFFFF;
	p2 =	slt.u32 s8, $0xFFFFF086  }
0x1c: {  	p1 =	slt.u32 s9, $0xF7A;
	s5 =	simm.s32 @!p2 $0x0  }
0x1d: {  	s5 =	simm.s32 @p1 $0x1;
	p0 =	seq.s32 s7, s2  }
0x1e: {  	s7 =	smul.u32 @!p0 $0xF7A, s2;
	p2 =	seq.s32 @!p0 s5, $0x0  }
0x1f: {  	s9 =	smul.u32 $0xF7A, s1;
	s8 =	simm.s32 @!p0 $0x1BF5;
	p2 =	por !p2, p0  }
0x20: {  	[sflag:s8] =	ssyncset.s32 @!p0 $0xFFFFF086;
	s6 =	sadd.s32 @!p0 s3, s7;
	s7 =	simm.s32 @!p0 $0x108  }
0x21: {  	s3 =	sadd.s32 s3, s9;
	s6 =	sadd.s32 @!p0 $0x88, s6;
	s7 =	simm.s32 @p2 $0x1082  }
0x22: {  	[simem:s7], [sflag:s8] =	dma.local @!p0 [hbm:s6], $0xF7A  }
0x23: {  	s9 =	sor.u32 $0xD0000000, s2;
	s6 =	simm.s32 $0x108;
	_ =	swait.ge @!p0 [sflag:s8], $0x0  }
0x24: {  	s3 =	sadd.s32 $0x88, s3;
	s6 =	simm.s32 @!p1 $0x1082;
	[sflag:s4] =	ssyncset.s32 $0xFFFFF086  }
0x25: {  	[simem:s6], [sflag:s4] =	dma.local [hbm:s3], $0xF7A  }
0x26: {  	[smem:$0x3F9B] =	sst s1;
	(tag) =	ssettag s2;
	_ =	strace s9  }
0x27: {  	s1 =	sld [smem:$0x3FAB]  }
0x28: {  	s2 =	sld [smem:$0x3FAC]  }
0x29: {  	s4 =	sld [smem:$0x3FAE]  }
0x2a: {  	p0 =	seq.s32 s5, $0x0;
	s5 =	sld [smem:$0x3FAF]  }
0x2b: {  	s6 =	sld [smem:$0x3FB0]  }
0x2c: {  	s7 =	sld [smem:$0x3FB1]  }
0x2d: {  	s3 =	simm.s32 $0x108;
	s8 =	sld [smem:$0x3FB2]  }
0x2e: {  	s3 =	simm.s32 @!p0 $0x1082;
	s9 =	sld [smem:$0x3FB3]  }
0x2f: {  	lr =	sadd.s32 s0, s3;
	s0 =	sld [smem:$0x3FAA]  }
0x30: {  	s3 =	sld [smem:$0x3FAD]  }
0x31: {  	[smem:$0x3FB6] =	sst s10  }
0x32: {  	s10 =	sld [smem:$0x3FB4];
	_ =	sdelay $0x3  }
0x33: {  	p0 =	seq.s32 s10, $0x1;
	s10 =	sld [smem:$0x3FB6];
	_ =	sdelay $0x3  }
0x34: {  	[smem:$0x3FB6] =	sst s10  }
0x35: {  	s10 =	sld [smem:$0x3FB5];
	_ =	sdelay $0x3  }
0x36: {  	p1 =	seq.s32 s10, $0x1;
	s10 =	sld [smem:$0x3FB6];
	_ =	sdelay $0x3  }
0x37: {  	[smem:$0x3FB6] =	sst s10  }
0x38: {  	s10 =	sld [smem:$0x3FB7]  }
0x39: {  	_ = 	snop;
	(pc) =	sbr.ind lr, $3  }
0x3a: {  	_ = 	snop  }
0x3b: {  	_ = 	snop  }
0x3c: {  	p2 =	seq.s32 s10, $0x1;
	s10 =	sld [smem:$0x3FB6]  }
0x3d: {  	_ =	shalt  }
0x3e: {  	_ =	shalt  }
0x3f: {  	_ =	shalt  }
0x40: {  	_ =	shalt  }
0x41: {  	_ =	shalt  }
0x42: {  	_ =	shalt  }
0x43: {  	_ =	shalt  }
0x44: {  	_ =	shalt  }
0x45: {  	_ =	shalt  }
0x46: {  	_ =	shalt  }
0x47: {  	_ =	shalt  }
0x48: {  	_ =	shalt  }
0x49: {  	_ =	shalt  }
0x4a: {  	_ =	shalt  }
0x4b: {  	_ =	shalt  }
0x4c: {  	_ =	shalt  }
0x4d: {  	_ =	shalt  }
0x4e: {  	_ =	shalt  }
0x4f: {  	_ =	shalt  }
0x50: {  	_ =	shalt  }
0x51: {  	_ =	shalt  }
0x52: {  	_ =	shalt  }
0x53: {  	_ =	shalt  }
0x54: {  	_ =	shalt  }
0x55: {  	_ =	shalt  }
0x56: {  	_ =	shalt  }
0x57: {  	_ =	shalt  }
0x58: {  	_ =	shalt  }
0x59: {  	_ =	shalt  }
0x5a: {  	_ =	shalt  }
0x5b: {  	_ =	shalt  }
0x5c: {  	_ =	shalt  }
0x5d: {  	_ =	shalt  }
0x5e: {  	_ =	shalt  }
0x5f: {  	_ =	shalt  }
0x60: {  	_ =	shalt  }
0x61: {  	_ =	shalt  }
0x62: {  	_ =	shalt  }
0x63: {  	_ =	shalt  }
0x64: {  	_ =	shalt  }
0x65: {  	_ =	shalt  }
0x66: {  	_ =	shalt  }
0x67: {  	_ =	shalt  }
0x68: {  	_ =	shalt  }
0x69: {  	_ =	shalt  }
0x6a: {  	_ =	shalt  }
0x6b: {  	_ =	shalt  }
0x6c: {  	_ =	shalt  }
0x6d: {  	_ =	shalt  }
0x6e: {  	_ =	shalt  }
0x6f: {  	_ =	shalt  }
0x70: {  	_ =	shalt  }
0x71: {  	_ =	shalt  }
0x72: {  	_ =	shalt  }
0x73: {  	_ =	shalt  }
0x74: {  	_ =	shalt  }
0x75: {  	_ =	shalt  }
0x76: {  	_ =	shalt  }
0x77: {  	_ =	shalt  }
0x78: {  	_ =	shalt  }
0x79: {  	_ =	shalt  }
0x7a: {  	_ =	shalt  }
0x7b: {  	_ =	shalt  }
0x7c: {  	_ =	shalt  }
0x7d: {  	_ =	shalt  }
0x7e: {  	_ =	shalt  }
0x7f: {  	_ =	shalt  }
0x80: {  	_ =	shalt  }
0x81: {  	_ =	shalt  }
0x82: {  	_ =	shalt  }
0x83: {  	_ =	shalt  }
0x84: {  	_ =	shalt  }
0x85: {  	_ =	shalt  }
0x86: {  	_ =	shalt  }
0x87: {  	_ =	shalt  }
.Lfunc_end0:
.L_simem_size_0:
called_computation.1_lowered:
.L_overlay_start_0:
0x88: {  	s2 =	sld [smem:$0x3FD9]  }
0x89: {  	s3 =	sld [smem:$0x3FFE];
	_ =	sdelay $0x1  }
0x8a: {  	s1 =	srdreg.scid  }
0x8b: {  	s0 =	sand.u32 $0x1, s1  }
0x8c: {  	s17 =	sshll.u32 s0, $0xA;
	s2 =	sadd.s32 s3, s2  }
0x8d: {  	s2 =	sadd.s32 s2, s17  }
0x8e: {  	[smem:$0x3FC2] =	sst s2  }
0x8f: {  	_ = 	snop  }
0x90: {  	s2 =	sld [smem:$0x3FD0];
	(tm) =	ssettm $0x1  }
0x91: {  	s18 =	sld [smem:$0x3FFB];
	_ =	sdelay $0x3  }
0x92: {  	_ =	strace s18  }
0x93: {  	s3 =	sld [smem:$0x3FFC];
	_ =	sdelay $0x3  }
0x94: {  	_ =	strace s3  }
0x95: {  	s3 =	sld [smem:$0x3FFD];
	_ =	sdelay $0x3  }
0x96: {  	_ =	strace s3  }
0x97: {  	_ =	strace $0x8FFFFFFF  }
0x98: {  	s19 =	sld [smem:$0x3FDB];
	_ =	sdelay $0x1  }
0x99: {  	s4 =	simm.s32 $_scs_section_size  }
0x9a: {  	s5 =	simm.s32 $_size__tile_overlayer_lowered;
	s6 =	simm.s32 $_tile_overlayer_lowered  }
0x9b: {  	s22 =	simm.s32 $0x1BFF;
	s21 =	sshll.u32 s6, $0x1;
	s3 =	sadd.s32 s4, s19  }
0x9c: {  	s7 =	simm.s32 $0x0;
	s20 =	sshll.u32 s5, $0x1;
	s5 =	sadd.s32 s21, s3  }
0x9d: {  	[timem:s7], [sflag:s22] =	dma.local [hbm:s5], s20  }
0x9e: {  	_ =	swait.ge [sflag:s22], s20  }
0x9f: {  	s4 =	ssub.s32 $0x0, s20;
	[sflag:s22] =	ssyncset.done $0x0  }
0xa0: {  	[sflag:s22] =	ssyncadd.s32 s4;
	_ =	sdelay $0x1  }
0xa1: {  	s23 =	simm.s32 $0x1B8B  }
0xa2: {  	_ =	swait.ge [sflag:s23], $0x1  }
0xa3: {  	[sflag:s23] =	ssyncset.done $0x0  }
0xa4: {  	s25 =	simm.s32 $0x1B8E;
	s24 =	sld [smem:$0x3FFE];
	[sflag:s23] =	ssyncadd.s32 $0xFFFFFFFF  }
0xa5: {  	s26 =	simm.s32 $execute0_lowered;
	[smem:$0x3FD2] =	sst s25  }
0xa6: {  	s5 =	sshll.u32 s26, $0x1;
	_ =	strace $0x80000049;
	[dreg:$0x1] =	wrdreg $0xFFFFFFFF  }
0xa7: {  	s28 =	simm.s32 $_size_execute0_lowered;
	s3 =	sadd.s32 s3, s5;
	[dreg:$0x0] =	wrdreg $0x0  }
0xa8: {  	s5 =	sshll.u32 s28, $0x1;
	[dreg:$0x2] =	wrdreg s3  }
0xa9: {  	[dreg:$0x3] =	wrdreg s5  }
0xaa: {  	[dreg:$0x4] =	wrdreg $0xC0  }
0xab: {  	_ =	task [dreg:s7], $0x5FFFF  }
0xac: {  	[dreg:$0x1] =	wrdreg $0xFFFFFFFF  }
0xad: {  	[dreg:$0x0] =	wrdreg $0x60  }
0xae: {  	[dreg:$0x2] =	wrdreg s2  }
0xaf: {  	[dreg:$0x3] =	wrdreg s24  }
0xb0: {  	[dreg:$0x4] =	wrdreg $0xD0000  }
0xb1: {  	[dreg:$0x5] =	wrdreg $0x9  }
0xb2: {  	_ =	task.clear_ibuf [dreg:s7], $0x6FFFF;
	_ =	strace $0x90000049  }
0xb3: {  	s29 =	simm.s32 $0x9;
	_ =	strace $0x8000004B  }
0xb4: {  	_ =	swait.ge [sflag:s29], $0x1  }
0xb5: {  	[sflag:s29] =	ssyncadd.s32 $0xFFFFFFFF  }
0xb6: {  	_ =	strace $0x9000004B  }
0xb7: {  	_ =	sfence  }
0xb8: {  	s30 =	sld [smem:$0x0];
	_ =	sdelay $0x2  }
0xb9: {  	s31 =	sshll.u32 s1, $0xD;
	s1 =	sshrl.u32 s1, $0x2  }
0xba: {  	s3 =	sand.u32 $0x4000, s31;
	s1 =	sadd.s32 s1, s30  }
0xbb: {  	s0 =	sor.u32 s3, s0;
	s1 =	sshll.u32 s1, $0x11  }
0xbc: {  	s0 =	sor.u32 s1, s0  }
0xbd: {  	s0 =	sadd.s32 $0x8F2B, s0  }
0xbe: {  	[sflag:s0] =	ssyncadd.remote.s32 $0x1  }
0xbf: {  	_ =	sfence.sel $0xFFFF  }
0xc0: {  	[dreg:$0x0] =	wrdreg $0xFFFFFFFF;
	(pc) =	sbr.abs _section_cstart, $3  }
0xc1: {  	[dreg:$0x1] =	wrdreg $0xFFFFFFFF  }
0xc2: {  	_ =	task.clear_ibuf [dreg:s7], $0x2FFFF;
	_ =	strace $0x9FFFFFFF  }
0xc3: {  	(tm) =	ssettm $0x7FFFFFFF  }
tec
execute0_lowered:
.L_overlay_start_1:
0x0: {  	(tag) =	ssettag $0x1  }
0x1: {  	s1 =	rddreg [dreg:$0x0]  }
0x2: {  	s0 =	srdreg.scid;
	s2 =	rddreg [dreg:$0x1]  }
0x3: {  	s10 =	stileid.u32;
	s3 =	rddreg [dreg:$0x2]  }
0x4: {  	s4 =	simm.s32 $0x0;
	s14 =	simm.s32 $0x80;
	s15 =	simm.s32 $0x5000  }
0x5: {  	s16 =	simm.s32 $0x7000;
	s18 =	simm.s32 $0x9000;
	s20 =	simm.s32 $0xB000  }
0x6: {  	s21 =	simm.s32 $0x1;
	s22 =	simm.s32 $0x2;
	s23 =	simm.s32 $0x3  }
0x7: {  	s24 =	simm.s32 $0x4;
	s28 =	simm.s32 $0x7;
	s6 =	smul.u32 $0x2800, s10  }
0x8: {  	s29 =	simm.s32 $0x8;
	s0 =	sand.u32 $0x1, s0;
	s7 =	smul.u32 $0x14000, s10  }
0x9: {  	s31 =	simm.s32 $0x4E80;
	[smem:$0x7FF] =	sst s4;
	s5 =	smul.u32 $0x28000, s0  }
0xa: {  	s30 =	sshll.u32 s10, $0x6;
	s10 =	simm.s32 $0x9;
	s25 =	smul.u32 $0x140000, s0  }
0xb: {  	_ =	strace $0x8000004A;
	s0 =	ssub.s32 $0x2, s0;
	s12 =	sor.u32 $0x1C09, s30  }
0xc: {  	s9 =	sshrl.u32 s0, $0x1;
	s26 =	sshrl.u32 s7, $0x1;
	s5 =	sadd.s32 s6, s5  }
0xd: {  	s6 =	sadd.s32 s7, s25;
	s0 =	ssub.s32 s0, s9;
	s11 =	sadd.s32 s26, s3  }
0xe: {  	s25 =	simm.s32 $0x5;
	s26 =	simm.s32 $0x6;
	s5 =	sshrl.u32 s5, $0x3  }
0xf: {  	s6 =	sshrl.u32 s6, $0x4;
	s9 =	smax.u32 s0, $0x1;
	s13 =	sshrl.u32 s11, $0x3  }
0x10: {  	s0 =	simm.s32 $0x4F80;
	s11 =	simm.s32 $0x0;
	s8 =	sadd.s32 s5, s2  }
0x11: {  	s5 =	sadd.s32 $0xBC00, s2;
	s2 =	sadd.s32 s6, s2;
	s6 =	sadd.s32 $0xD000, s8  }
0x12: {  	s7 =	sadd.s32 $0x1400, s8;
	s8 =	sadd.s32 $0x17000, s2;
	s2 =	simm.s32 $0x4F00  }
.LBB2_1:
0x13: {  	[tilespmem:s4], [sflag:$0x9] =	stream.linear.gather [hbm4b:s6+s4], $0x2800, $0x38;
	[tilespmem:$0x17000] =	vst v63  }
0x14: {  	_ =	swait.ge [sflag:s10], $0x2800  }
0x15: {  	[sflag:s10] =	ssyncset.done $0x0  }
0x16: {  	s17 =	simm.s32 $0x2800;
	[sflag:s10] =	ssyncadd.s32 $0xFFFFD800  }
0x17: {  	[tilespmem:s17], [sflag:$0x9] =	stream.linear.gather [hbm4b:s7+s4], $0x2800, $0x38;
	[tilespmem:$0x17000] =	vst v63  }
0x18: {  	_ =	swait.ge [sflag:s10], $0x2800  }
0x19: {  	[sflag:s10] =	ssyncset.done $0x0  }
0x1a: {  	[sflag:s10] =	ssyncadd.s32 $0xFFFFD800  }
0x1b: {  	[spmem:s13], [sflag:s12] =	dma.local [hbm:s5], $0x1400  }
0x1c: {  	_ =	swait.ge [sflag:s10], $0x1400  }
0x1d: {  	[sflag:s10] =	ssyncset.done $0x0  }
0x1e: {  	[sflag:s10] =	ssyncadd.s32 $0xFFFFEC00  }
0x1f: {  	[bflag:$0x0] =	sbarrier.arrive $0xFFFF  }
0x20: {  	[tilespmem:s15], [sflag:$0x1] =	stream.indirect.gather [hbm4b:s1+s14], $0x40, s4, s14, $0xb8;
	[tilespmem:$0x17000] =	vst v63  }
0x21: {  	_ = 	snop  }
0x22: {  	[tilespmem:s16], [sflag:$0x2] =	stream.indirect.gather [hbm4b:s1+s14], $0x40, s14, s14, $0xb8;
	[tilespmem:$0x17000] =	vst v63  }
0x23: {  	s30 =	simm.s32 $0x100  }
0x24: {  	[tilespmem:s18], [sflag:$0x3] =	stream.indirect.gather [hbm4b:s1+s14], $0x40, s30, s14, $0xb8;
	[tilespmem:$0x17000] =	vst v63  }
0x25: {  	s19 =	simm.s32 $0x180  }
0x26: {  	[tilespmem:s20], [sflag:$0x4] =	stream.indirect.gather [hbm4b:s1+s14], $0x40, s19, s14, $0xb8;
	[tilespmem:$0x17000] =	vst v63  }
0x27: {  	_ =	swait.ge [sflag:s21], $0x2000  }
0x28: {  	[sflag:s21] =	ssyncset.done $0x0  }
0x29: {  	s30 =	simm.s32 $0x2800;
	[sflag:s21] =	ssyncadd.s32 $0xFFFFE000  }
0x2a: {  	[spmem:s3] =	stream.indirect.scatter.add.bf16 [tilespmem:s15], [sflag:$0x5], $0x40, s30, s14, $0xb8;
	[tilespmem:$0x17000] =	vst v63  }
0x2b: {  	_ =	swait.ge [sflag:s22], $0x2000  }
0x2c: {  	[sflag:s22] =	ssyncset.done $0x0  }
0x2d: {  	s19 =	simm.s32 $0x2880;
	[sflag:s22] =	ssyncadd.s32 $0xFFFFE000  }
0x2e: {  	[spmem:s3] =	stream.indirect.scatter.add.bf16 [tilespmem:s16], [sflag:$0x6], $0x40, s19, s14, $0xb8;
	[tilespmem:$0x17000] =	vst v63  }
0x2f: {  	_ =	swait.ge [sflag:s23], $0x2000  }
0x30: {  	[sflag:s23] =	ssyncset.done $0x0  }
0x31: {  	s30 =	simm.s32 $0x2900;
	[sflag:s23] =	ssyncadd.s32 $0xFFFFE000  }
0x32: {  	[spmem:s3] =	stream.indirect.scatter.add.bf16 [tilespmem:s18], [sflag:$0x7], $0x40, s30, s14, $0xb8;
	[tilespmem:$0x17000] =	vst v63  }
0x33: {  	_ =	swait.ge [sflag:s24], $0x2000  }
0x34: {  	[sflag:s24] =	ssyncset.done $0x0  }
0x35: {  	s19 =	simm.s32 $0x2980;
	[sflag:s24] =	ssyncadd.s32 $0xFFFFE000  }
0x36: {  	[spmem:s3] =	stream.indirect.scatter.add.bf16 [tilespmem:s20], [sflag:$0x8], $0x40, s19, s14, $0xb8;
	[tilespmem:$0x17000] =	vst v63  }
0x37: {  	_ =	swait.ge [sflag:s25], $0x2000  }
0x38: {  	[sflag:s25] =	ssyncset.done $0x0  }
0x39: {  	s30 =	simm.s32 $0x200;
	[sflag:s25] =	ssyncadd.s32 $0xFFFFE000  }
0x3a: {  	[tilespmem:s15], [sflag:$0x1] =	stream.indirect.gather [hbm4b:s1+s14], $0x40, s30, s14, $0xb8;
	[tilespmem:$0x17000] =	vst v63  }
0x3b: {  	_ =	swait.ge [sflag:s26], $0x2000  }
0x3c: {  	[sflag:s26] =	ssyncset.done $0x0  }
0x3d: {  	s19 =	simm.s32 $0x280;
	[sflag:s26] =	ssyncadd.s32 $0xFFFFE000  }
0x3e: {  	[tilespmem:s16], [sflag:$0x2] =	stream.indirect.gather [hbm4b:s1+s14], $0x40, s19, s14, $0xb8;
	[tilespmem:$0x17000] =	vst v63  }
0x3f: {  	_ =	swait.ge [sflag:s28], $0x2000  }
0x40: {  	[sflag:s28] =	ssyncset.done $0x0  }
0x41: {  	s30 =	simm.s32 $0x300;
	[sflag:s28] =	ssyncadd.s32 $0xFFFFE000  }
0x42: {  	[tilespmem:s18], [sflag:$0x3] =	stream.indirect.gather [hbm4b:s1+s14], $0x40, s30, s14, $0xb8;
	[tilespmem:$0x17000] =	vst v63  }
0x43: {  	_ =	swait.ge [sflag:s29], $0x2000  }
0x44: {  	[sflag:s29] =	ssyncset.done $0x0  }
0x45: {  	s17 =	simm.s32 $0x800;
	s19 =	simm.s32 $0x380;
	[sflag:s29] =	ssyncadd.s32 $0xFFFFE000  }
.LBB2_2:
0x46: {  	[tilespmem:s20], [sflag:$0x4] =	stream.indirect.gather [hbm4b:s1+s14], $0x40, s19, s14, $0xb8;
	[tilespmem:$0x17000] =	vst v63  }
0x47: {  	s19 =	smov.u32 s17  }
0x48: {  	p0 =	sne.s32 s17, $0x9000;
	s17 =	sadd.s32 $0x800, s17;
	_ =	swait.ge [sflag:s21], $0x2000  }
0x49: {  	s19 =	sshra.s32 s19, $0x2;
	[sflag:s21] =	ssyncset.done $0x0  }
0x4a: {  	s30 =	sadd.s32 $0x2800, s19;
	[sflag:s21] =	ssyncadd.s32 $0xFFFFE000  }
0x4b: {  	[spmem:s3] =	stream.indirect.scatter.add.bf16 [tilespmem:s15], [sflag:$0x5], $0x40, s30, s14, $0xb8;
	[tilespmem:$0x17000] =	vst v63  }
0x4c: {  	_ =	swait.ge [sflag:s22], $0x2000  }
0x4d: {  	[sflag:s22] =	ssyncset.done $0x0  }
0x4e: {  	s30 =	sadd.s32 $0x2880, s19;
	[sflag:s22] =	ssyncadd.s32 $0xFFFFE000  }
0x4f: {  	[spmem:s3] =	stream.indirect.scatter.add.bf16 [tilespmem:s16], [sflag:$0x6], $0x40, s30, s14, $0xb8;
	[tilespmem:$0x17000] =	vst v63  }
0x50: {  	_ =	swait.ge [sflag:s23], $0x2000  }
0x51: {  	[sflag:s23] =	ssyncset.done $0x0  }
0x52: {  	s30 =	sadd.s32 $0x2900, s19;
	[sflag:s23] =	ssyncadd.s32 $0xFFFFE000  }
0x53: {  	[spmem:s3] =	stream.indirect.scatter.add.bf16 [tilespmem:s18], [sflag:$0x7], $0x40, s30, s14, $0xb8;
	[tilespmem:$0x17000] =	vst v63  }
0x54: {  	_ =	swait.ge [sflag:s24], $0x2000  }
0x55: {  	[sflag:s24] =	ssyncset.done $0x0  }
0x56: {  	s30 =	sadd.s32 $0x2980, s19;
	[sflag:s24] =	ssyncadd.s32 $0xFFFFE000  }
0x57: {  	[spmem:s3] =	stream.indirect.scatter.add.bf16 [tilespmem:s20], [sflag:$0x8], $0x40, s30, s14, $0xb8;
	[tilespmem:$0x17000] =	vst v63  }
0x58: {  	_ =	swait.ge [sflag:s25], $0x2000  }
0x59: {  	[sflag:s25] =	ssyncset.done $0x0  }
0x5a: {  	s30 =	sadd.s32 $0x200, s19;
	[sflag:s25] =	ssyncadd.s32 $0xFFFFE000  }
0x5b: {  	[tilespmem:s15], [sflag:$0x1] =	stream.indirect.gather [hbm4b:s1+s14], $0x40, s30, s14, $0xb8;
	[tilespmem:$0x17000] =	vst v63  }
0x5c: {  	_ =	swait.ge [sflag:s26], $0x2000  }
0x5d: {  	[sflag:s26] =	ssyncset.done $0x0  }
0x5e: {  	s30 =	sadd.s32 $0x280, s19;
	[sflag:s26] =	ssyncadd.s32 $0xFFFFE000  }
0x5f: {  	[tilespmem:s16], [sflag:$0x2] =	stream.indirect.gather [hbm4b:s1+s14], $0x40, s30, s14, $0xb8;
	[tilespmem:$0x17000] =	vst v63  }
0x60: {  	_ =	swait.ge [sflag:s28], $0x2000  }
0x61: {  	[sflag:s28] =	ssyncset.done $0x0  }
.Ltmp0:
0x62: {  	s30 =	sadd.s32 $0x300, s19;
	[sflag:s28] =	ssyncadd.s32 $0xFFFFE000;
	(pc) =	sbr.rel @p0 .LBB2_2-.Ltmp0, $4  }
0x63: {  	[tilespmem:s18], [sflag:$0x3] =	stream.indirect.gather [hbm4b:s1+s14], $0x40, s30, s14, $0xb8;
	[tilespmem:$0x17000] =	vst v63  }
0x64: {  	_ =	swait.ge [sflag:s29], $0x2000  }
0x65: {  	[sflag:s29] =	ssyncset.done $0x0  }
0x66: {  	s19 =	sadd.s32 $0x380, s19;
	[sflag:s29] =	ssyncadd.s32 $0xFFFFE000  }
0x67: {  	[tilespmem:s20], [sflag:$0x4] =	stream.indirect.gather [hbm4b:s1+s14], $0x40, s19, s14, $0xb8;
	[tilespmem:$0x17000] =	vst v63  }
0x68: {  	_ =	swait.ge [sflag:s21], $0x2000  }
0x69: {  	[sflag:s21] =	ssyncset.done $0x0  }
0x6a: {  	s17 =	simm.s32 $0x4E00;
	[sflag:s21] =	ssyncadd.s32 $0xFFFFE000  }
0x6b: {  	[spmem:s3] =	stream.indirect.scatter.add.bf16 [tilespmem:s15], [sflag:$0x5], $0x40, s17, s14, $0xb8;
	[tilespmem:$0x17000] =	vst v63  }
0x6c: {  	_ =	swait.ge [sflag:s22], $0x2000  }
0x6d: {  	[sflag:s22] =	ssyncset.done $0x0  }
0x6e: {  	[sflag:s22] =	ssyncadd.s32 $0xFFFFE000  }
0x6f: {  	[spmem:s3] =	stream.indirect.scatter.add.bf16 [tilespmem:s16], [sflag:$0x6], $0x40, s31, s14, $0xb8;
	[tilespmem:$0x17000] =	vst v63  }
0x70: {  	_ =	swait.ge [sflag:s23], $0x2000  }
0x71: {  	[sflag:s23] =	ssyncset.done $0x0  }
0x72: {  	[sflag:s23] =	ssyncadd.s32 $0xFFFFE000  }
0x73: {  	[spmem:s3] =	stream.indirect.scatter.add.bf16 [tilespmem:s18], [sflag:$0x7], $0x40, s2, s14, $0xb8;
	[tilespmem:$0x17000] =	vst v63  }
0x74: {  	_ =	swait.ge [sflag:s24], $0x2000  }
0x75: {  	[sflag:s24] =	ssyncset.done $0x0  }
0x76: {  	[sflag:s24] =	ssyncadd.s32 $0xFFFFE000  }
0x77: {  	[spmem:s3] =	stream.indirect.scatter.add.bf16 [tilespmem:s20], [sflag:$0x8], $0x40, s0, s14, $0xb8;
	[tilespmem:$0x17000] =	vst v63  }
0x78: {  	_ =	swait.ge [sflag:s25], $0x2000  }
0x79: {  	[sflag:s25] =	ssyncset.done $0x0  }
0x7a: {  	[sflag:s25] =	ssyncadd.s32 $0xFFFFE000  }
0x7b: {  	_ =	swait.ge [sflag:s26], $0x2000  }
0x7c: {  	[sflag:s26] =	ssyncset.done $0x0  }
0x7d: {  	[sflag:s26] =	ssyncadd.s32 $0xFFFFE000  }
0x7e: {  	_ =	swait.ge [sflag:s28], $0x2000  }
0x7f: {  	[sflag:s28] =	ssyncset.done $0x0  }
0x80: {  	[sflag:s28] =	ssyncadd.s32 $0xFFFFE000  }
0x81: {  	_ =	swait.ge [sflag:s29], $0x2000  }
0x82: {  	s11 =	sadd.s32 $0x1, s11;
	[sflag:s29] =	ssyncset.done $0x0  }
0x83: {  	p0 =	sne.s32 s11, s9;
	[sflag:s29] =	ssyncadd.s32 $0xFFFFE000  }
.Ltmp1:
0x84: {  	[bflag:$0x0] =	sbarrier.arrive $0xFFFF;
	(pc) =	sbr.rel @p0 .LBB2_1-.Ltmp1, $4  }
0x85: {  	[hbm:s8], [sflag:s12] =	dma.local [spmem:s13], $0x1400  }
0x86: {  	_ =	swait.ge [sflag:s10], $0x1400  }
0x87: {  	[sflag:s10] =	ssyncset.done $0x0  }
0x88: {  	[sflag:s10] =	ssyncadd.s32 $0xFFFFEC00  }
0x89: {  	_ =	sfence.sel $0x180000  }
0x8a: {  	[bflag:$0x0] =	sbarrier.arrive $0xFFFF  }
0x8b: {  	_ =	strace $0x9000004A  }
0x8c: {  	s0 =	stileid.u32;
	[bflag:$0x2] =	sbarrier.arrive $0xFFFF  }
0x8d: {  	p0 =	sne.s32 s0, $0x0;
	s0 =	rddreg [dreg:$0x3]  }
0x8e: {  	s0 =	sadd.s32 @!p0 $0x100000, s0  }
0x8f: {  	[sflag:s0] =	ssyncadd.tile.s32 @!p0 $0x1;
	_ =	shalt  }
.Lfunc_end2:
_tile_overlayer_lowered:
.L_overlay_start_2:
0x90: {  	(tag) =	ssettag $0x2  }
0x91: {  	s0 =	rddreg [dreg:$0x0];
	s2 =	stileid.u32  }
0x92: {  	s1 =	rddreg [dreg:$0x1];
	p0 =	sne.s32 s2, $0x0  }
0x93: {  	s3 =	rddreg [dreg:$0x2];
	[bflag:$0x3] =	sbarrier.arrive $0xFFFF;
	s2 =	simm.s32 @!p0 $0x1C09  }
0x94: {  	[timem:s3], [sflag:s2] =	dma.local @!p0 [hbm:s0], s1  }
0x95: {  	s0 =	simm.s32 @!p0 $0x9  }
0x96: {  	_ =	swait.ge @!p0 [sflag:s0], s1  }
0x97: {  	s1 =	ssub.s32 @!p0 $0x0, s1;
	[sflag:s0] =	ssyncset.done @!p0 $0x0  }
0x98: {  	[sflag:s0] =	ssyncadd.s32 @!p0 s1  }
0x99: {  	[bflag:$0x3] =	sbarrier.arrive $0xFFFF  }
0x9a: {  	_ =	shalt  }

// kernel: kernel.14.cloned.1.call-start
scs
__scs_entry_jumppad:
0x0: {  	(pc) =	sbr.rel $0x88, $3  }
0x1: {  	(tag) =	ssettag $0x0;
	lr =	simm.s32 $0x1  }
0x2: {  	[smem:$0x3F9B] =	sst lr;
	_ =	strace $0xD0000000  }
0x3: {  	_ = 	snop  }
0x4: {  	_ = 	snop  }
0x5: {  	_ = 	snop  }
0x6: {  	_ = 	snop  }
0x7: {  	_ = 	snop  }
__scs_overlays_trampoline_lowered:
0x8: {  	[smem:$0x3FAA] =	sst s0  }
0x9: {  	[smem:$0x3FAB] =	sst s1  }
0xa: {  	[smem:$0x3FAC] =	sst s2  }
0xb: {  	[smem:$0x3FAD] =	sst s3  }
0xc: {  	[smem:$0x3FAE] =	sst s4  }
0xd: {  	[smem:$0x3FAF] =	sst s5  }
0xe: {  	[smem:$0x3FB0] =	sst s6  }
0xf: {  	[smem:$0x3FB1] =	sst s7  }
0x10: {  	[smem:$0x3FB2] =	sst s8  }
0x11: {  	[smem:$0x3FB3] =	sst s9;
	s0 =	simm.s32 @!p0 $0x0  }
0x12: {  	s1 =	sld [smem:$0x3F99];
	s0 =	simm.s32 @p0 $0x1  }
0x13: {  	[smem:$0x3FB4] =	sst s0;
	s0 =	simm.s32 @!p1 $0x0  }
0x14: {  	s2 =	sld [smem:$0x3F98];
	s0 =	simm.s32 @p1 $0x1  }
0x15: {  	[smem:$0x3FB5] =	sst s0;
	s0 =	simm.s32 @!p2 $0x0  }
0x16: {  	s3 =	sld [smem:$0x3FDB];
	s0 =	simm.s32 @p2 $0x1  }
0x17: {  	s4 =	simm.s32 $0x1BF5;
	[smem:$0x3FB7] =	sst s0  }
0x18: {  	s0 =	sld [smem:$0x3F9A];
	_ =	swait.ge [sflag:s4], $0x0  }
0x19: {  	s7 =	sld [smem:$0x3F9B]  }
0x1a: {  	s8 =	sadd.s32 $0xFFFFE003, lr  }
0x1b: {  	s9 =	sadd.s32 $0xFFFFFEF7, lr;
	s5 =	simm.s32 $0xFFFFFFFF;
	p2 =	slt.u32 s8, $0xFFFFF086  }
0x1c: {  	p1 =	slt.u32 s9, $0xF7A;
	s5 =	simm.s32 @!p2 $0x0  }
0x1d: {  	s5 =	simm.s32 @p1 $0x1;
	p0 =	seq.s32 s7, s2  }
0x1e: {  	s7 =	smul.u32 @!p0 $0xF7A, s2;
	p2 =	seq.s32 @!p0 s5, $0x0  }
0x1f: {  	s9 =	smul.u32 $0xF7A, s1;
	s8 =	simm.s32 @!p0 $0x1BF5;
	p2 =	por !p2, p0  }
0x20: {  	[sflag:s8] =	ssyncset.s32 @!p0 $0xFFFFF086;
	s6 =	sadd.s32 @!p0 s3, s7;
	s7 =	simm.s32 @!p0 $0x108  }
0x21: {  	s3 =	sadd.s32 s3, s9;
	s6 =	sadd.s32 @!p0 $0x88, s6;
	s7 =	simm.s32 @p2 $0x1082  }
0x22: {  	[simem:s7], [sflag:s8] =	dma.local @!p0 [hbm:s6], $0xF7A  }
0x23: {  	s9 =	sor.u32 $0xD0000000, s2;
	s6 =	simm.s32 $0x108;
	_ =	swait.ge @!p0 [sflag:s8], $0x0  }
0x24: {  	s3 =	sadd.s32 $0x88, s3;
	s6 =	simm.s32 @!p1 $0x1082;
	[sflag:s4] =	ssyncset.s32 $0xFFFFF086  }
0x25: {  	[simem:s6], [sflag:s4] =	dma.local [hbm:s3], $0xF7A  }
0x26: {  	[smem:$0x3F9B] =	sst s1;
	(tag) =	ssettag s2;
	_ =	strace s9  }
0x27: {  	s1 =	sld [smem:$0x3FAB]  }
0x28: {  	s2 =	sld [smem:$0x3FAC]  }
0x29: {  	s4 =	sld [smem:$0x3FAE]  }
0x2a: {  	p0 =	seq.s32 s5, $0x0;
	s5 =	sld [smem:$0x3FAF]  }
0x2b: {  	s6 =	sld [smem:$0x3FB0]  }
0x2c: {  	s7 =	sld [smem:$0x3FB1]  }
0x2d: {  	s3 =	simm.s32 $0x108;
	s8 =	sld [smem:$0x3FB2]  }
0x2e: {  	s3 =	simm.s32 @!p0 $0x1082;
	s9 =	sld [smem:$0x3FB3]  }
0x2f: {  	lr =	sadd.s32 s0, s3;
	s0 =	sld [smem:$0x3FAA]  }
0x30: {  	s3 =	sld [smem:$0x3FAD]  }
0x31: {  	[smem:$0x3FB6] =	sst s10  }
0x32: {  	s10 =	sld [smem:$0x3FB4];
	_ =	sdelay $0x3  }
0x33: {  	p0 =	seq.s32 s10, $0x1;
	s10 =	sld [smem:$0x3FB6];
	_ =	sdelay $0x3  }
0x34: {  	[smem:$0x3FB6] =	sst s10  }
0x35: {  	s10 =	sld [smem:$0x3FB5];
	_ =	sdelay $0x3  }
0x36: {  	p1 =	seq.s32 s10, $0x1;
	s10 =	sld [smem:$0x3FB6];
	_ =	sdelay $0x3  }
0x37: {  	[smem:$0x3FB6] =	sst s10  }
0x38: {  	s10 =	sld [smem:$0x3FB7]  }
0x39: {  	_ = 	snop;
	(pc) =	sbr.ind lr, $3  }
0x3a: {  	_ = 	snop  }
0x3b: {  	_ = 	snop  }
0x3c: {  	p2 =	seq.s32 s10, $0x1;
	s10 =	sld [smem:$0x3FB6]  }
0x3d: {  	_ =	shalt  }
0x3e: {  	_ =	shalt  }
0x3f: {  	_ =	shalt  }
0x40: {  	_ =	shalt  }
0x41: {  	_ =	shalt  }
0x42: {  	_ =	shalt  }
0x43: {  	_ =	shalt  }
0x44: {  	_ =	shalt  }
0x45: {  	_ =	shalt  }
0x46: {  	_ =	shalt  }
0x47: {  	_ =	shalt  }
0x48: {  	_ =	shalt  }
0x49: {  	_ =	shalt  }
0x4a: {  	_ =	shalt  }
0x4b: {  	_ =	shalt  }
0x4c: {  	_ =	shalt  }
0x4d: {  	_ =	shalt  }
0x4e: {  	_ =	shalt  }
0x4f: {  	_ =	shalt  }
0x50: {  	_ =	shalt  }
0x51: {  	_ =	shalt  }
0x52: {  	_ =	shalt  }
0x53: {  	_ =	shalt  }
0x54: {  	_ =	shalt  }
0x55: {  	_ =	shalt  }
0x56: {  	_ =	shalt  }
0x57: {  	_ =	shalt  }
0x58: {  	_ =	shalt  }
0x59: {  	_ =	shalt  }
0x5a: {  	_ =	shalt  }
0x5b: {  	_ =	shalt  }
0x5c: {  	_ =	shalt  }
0x5d: {  	_ =	shalt  }
0x5e: {  	_ =	shalt  }
0x5f: {  	_ =	shalt  }
0x60: {  	_ =	shalt  }
0x61: {  	_ =	shalt  }
0x62: {  	_ =	shalt  }
0x63: {  	_ =	shalt  }
0x64: {  	_ =	shalt  }
0x65: {  	_ =	shalt  }
0x66: {  	_ =	shalt  }
0x67: {  	_ =	shalt  }
0x68: {  	_ =	shalt  }
0x69: {  	_ =	shalt  }
0x6a: {  	_ =	shalt  }
0x6b: {  	_ =	shalt  }
0x6c: {  	_ =	shalt  }
0x6d: {  	_ =	shalt  }
0x6e: {  	_ =	shalt  }
0x6f: {  	_ =	shalt  }
0x70: {  	_ =	shalt  }
0x71: {  	_ =	shalt  }
0x72: {  	_ =	shalt  }
0x73: {  	_ =	shalt  }
0x74: {  	_ =	shalt  }
0x75: {  	_ =	shalt  }
0x76: {  	_ =	shalt  }
0x77: {  	_ =	shalt  }
0x78: {  	_ =	shalt  }
0x79: {  	_ =	shalt  }
0x7a: {  	_ =	shalt  }
0x7b: {  	_ =	shalt  }
0x7c: {  	_ =	shalt  }
0x7d: {  	_ =	shalt  }
0x7e: {  	_ =	shalt  }
0x7f: {  	_ =	shalt  }
0x80: {  	_ =	shalt  }
0x81: {  	_ =	shalt  }
0x82: {  	_ =	shalt  }
0x83: {  	_ =	shalt  }
0x84: {  	_ =	shalt  }
0x85: {  	_ =	shalt  }
0x86: {  	_ =	shalt  }
0x87: {  	_ =	shalt  }
.Lfunc_end0:
.L_simem_size_0:
called_computation.2_lowered:
.L_overlay_start_0:
0x88: {  	s2 =	sld [smem:$0x3FD9]  }
0x89: {  	s3 =	sld [smem:$0x3FFE];
	_ =	sdelay $0x1  }
0x8a: {  	s1 =	srdreg.scid  }
0x8b: {  	s0 =	sand.u32 $0x1, s1  }
0x8c: {  	s17 =	sshll.u32 s0, $0xA;
	s2 =	sadd.s32 s3, s2  }
0x8d: {  	s2 =	sadd.s32 s2, s17  }
0x8e: {  	[smem:$0x3FC2] =	sst s2  }
0x8f: {  	_ = 	snop  }
0x90: {  	s2 =	sld [smem:$0x3FD0];
	(tm) =	ssettm $0x1  }
0x91: {  	s18 =	sld [smem:$0x3FFB];
	_ =	sdelay $0x3  }
0x92: {  	_ =	strace s18  }
0x93: {  	s3 =	sld [smem:$0x3FFC];
	_ =	sdelay $0x3  }
0x94: {  	_ =	strace s3  }
0x95: {  	s3 =	sld [smem:$0x3FFD];
	_ =	sdelay $0x3  }
0x96: {  	_ =	strace s3  }
0x97: {  	_ =	strace $0x8FFFFFFF  }
0x98: {  	s19 =	sld [smem:$0x3FDB];
	_ =	sdelay $0x1  }
0x99: {  	s4 =	simm.s32 $_scs_section_size  }
0x9a: {  	s5 =	simm.s32 $_size__tile_overlayer_lowered;
	s6 =	simm.s32 $_tile_overlayer_lowered  }
0x9b: {  	s22 =	simm.s32 $0x1BFF;
	s21 =	sshll.u32 s6, $0x1;
	s3 =	sadd.s32 s4, s19  }
0x9c: {  	s7 =	simm.s32 $0x0;
	s20 =	sshll.u32 s5, $0x1;
	s5 =	sadd.s32 s21, s3  }
0x9d: {  	[timem:s7], [sflag:s22] =	dma.local [hbm:s5], s20  }
0x9e: {  	_ =	swait.ge [sflag:s22], s20  }
0x9f: {  	s4 =	ssub.s32 $0x0, s20;
	[sflag:s22] =	ssyncset.done $0x0  }
0xa0: {  	[sflag:s22] =	ssyncadd.s32 s4;
	_ =	sdelay $0x1  }
0xa1: {  	s23 =	simm.s32 $0x1B8B  }
0xa2: {  	_ =	swait.ge [sflag:s23], $0x1  }
0xa3: {  	[sflag:s23] =	ssyncset.done $0x0  }
0xa4: {  	s25 =	simm.s32 $0x1B8E;
	s24 =	sld [smem:$0x3FFE];
	[sflag:s23] =	ssyncadd.s32 $0xFFFFFFFF  }
0xa5: {  	s26 =	simm.s32 $execute0_lowered;
	[smem:$0x3FD2] =	sst s25  }
0xa6: {  	s5 =	sshll.u32 s26, $0x1;
	_ =	strace $0x8000004C;
	[dreg:$0x1] =	wrdreg $0xFFFFFFFF  }
0xa7: {  	s28 =	simm.s32 $_size_execute0_lowered;
	s3 =	sadd.s32 s3, s5;
	[dreg:$0x0] =	wrdreg $0x0  }
0xa8: {  	s5 =	sshll.u32 s28, $0x1;
	[dreg:$0x2] =	wrdreg s3  }
0xa9: {  	[dreg:$0x3] =	wrdreg s5  }
0xaa: {  	[dreg:$0x4] =	wrdreg $0xC0  }
0xab: {  	_ =	task [dreg:s7], $0x5FFFF  }
0xac: {  	[dreg:$0x1] =	wrdreg $0xFFFFFFFF  }
0xad: {  	[dreg:$0x0] =	wrdreg $0x60  }
0xae: {  	[dreg:$0x2] =	wrdreg s2  }
0xaf: {  	[dreg:$0x3] =	wrdreg s24  }
0xb0: {  	[dreg:$0x4] =	wrdreg $0xD0000  }
0xb1: {  	[dreg:$0x5] =	wrdreg $0x9  }
0xb2: {  	_ =	task.clear_ibuf [dreg:s7], $0x6FFFF;
	_ =	strace $0x9000004C  }
0xb3: {  	s29 =	simm.s32 $0x9;
	_ =	strace $0x8000004E  }
0xb4: {  	_ =	swait.ge [sflag:s29], $0x1  }
0xb5: {  	[sflag:s29] =	ssyncadd.s32 $0xFFFFFFFF  }
0xb6: {  	_ =	strace $0x9000004E  }
0xb7: {  	_ =	sfence  }
0xb8: {  	s30 =	sld [smem:$0x0];
	_ =	sdelay $0x2  }
0xb9: {  	s31 =	sshll.u32 s1, $0xD;
	s1 =	sshrl.u32 s1, $0x2  }
0xba: {  	s3 =	sand.u32 $0x4000, s31;
	s1 =	sadd.s32 s1, s30  }
0xbb: {  	s0 =	sor.u32 s3, s0;
	s1 =	sshll.u32 s1, $0x11  }
0xbc: {  	s0 =	sor.u32 s1, s0  }
0xbd: {  	s0 =	sadd.s32 $0x8F2B, s0  }
0xbe: {  	[sflag:s0] =	ssyncadd.remote.s32 $0x1  }
0xbf: {  	_ =	sfence.sel $0xFFFF  }
0xc0: {  	[dreg:$0x0] =	wrdreg $0xFFFFFFFF;
	(pc) =	sbr.abs _section_cstart, $3  }
0xc1: {  	[dreg:$0x1] =	wrdreg $0xFFFFFFFF  }
0xc2: {  	_ =	task.clear_ibuf [dreg:s7], $0x2FFFF;
	_ =	strace $0x9FFFFFFF  }
0xc3: {  	(tm) =	ssettm $0x7FFFFFFF  }
tec
execute0_lowered:
.L_overlay_start_1:
0x0: {  	(tag) =	ssettag $0x1  }
0x1: {  	s1 =	rddreg [dreg:$0x0]  }
0x2: {  	s0 =	srdreg.scid;
	s2 =	rddreg [dreg:$0x1]  }
0x3: {  	s10 =	stileid.u32;
	s3 =	rddreg [dreg:$0x2]  }
0x4: {  	s4 =	simm.s32 $0x0;
	s14 =	simm.s32 $0x80;
	s15 =	simm.s32 $0x5000  }
0x5: {  	s16 =	simm.s32 $0x7000;
	s18 =	simm.s32 $0x9000;
	s20 =	simm.s32 $0xB000  }
0x6: {  	s21 =	simm.s32 $0x1;
	s22 =	simm.s32 $0x2;
	s23 =	simm.s32 $0x3  }
0x7: {  	s24 =	simm.s32 $0x4;
	s28 =	simm.s32 $0x7;
	s6 =	smul.u32 $0x2800, s10  }
0x8: {  	s29 =	simm.s32 $0x8;
	s0 =	sand.u32 $0x1, s0;
	s7 =	smul.u32 $0x14000, s10  }
0x9: {  	s31 =	simm.s32 $0x4E80;
	[smem:$0x7FF] =	sst s4;
	s5 =	smul.u32 $0x28000, s0  }
0xa: {  	s30 =	sshll.u32 s10, $0x6;
	s10 =	simm.s32 $0x9;
	s25 =	smul.u32 $0x140000, s0  }
0xb: {  	_ =	strace $0x8000004D;
	s0 =	ssub.s32 $0x2, s0;
	s12 =	sor.u32 $0x1C09, s30  }
0xc: {  	s9 =	sshrl.u32 s0, $0x1;
	s26 =	sshrl.u32 s7, $0x1;
	s5 =	sadd.s32 s6, s5  }
0xd: {  	s6 =	sadd.s32 s7, s25;
	s0 =	ssub.s32 s0, s9;
	s11 =	sadd.s32 s26, s3  }
0xe: {  	s25 =	simm.s32 $0x5;
	s26 =	simm.s32 $0x6;
	s5 =	sshrl.u32 s5, $0x3  }
0xf: {  	s6 =	sshrl.u32 s6, $0x4;
	s9 =	smax.u32 s0, $0x1;
	s13 =	sshrl.u32 s11, $0x3  }
0x10: {  	s0 =	simm.s32 $0x4F80;
	s11 =	simm.s32 $0x0;
	s8 =	sadd.s32 s5, s2  }
0x11: {  	s5 =	sadd.s32 $0xBC00, s2;
	s2 =	sadd.s32 s6, s2;
	s6 =	sadd.s32 $0xD000, s8  }
0x12: {  	s7 =	sadd.s32 $0x1400, s8;
	s8 =	sadd.s32 $0x17000, s2;
	s2 =	simm.s32 $0x4F00  }
.LBB2_1:
0x13: {  	[tilespmem:s4], [sflag:$0x9] =	stream.linear.gather [hbm4b:s6+s4], $0x2800, $0x38;
	[tilespmem:$0x17000] =	vst v63  }
0x14: {  	_ =	swait.ge [sflag:s10], $0x2800  }
0x15: {  	[sflag:s10] =	ssyncset.done $0x0  }
0x16: {  	s17 =	simm.s32 $0x2800;
	[sflag:s10] =	ssyncadd.s32 $0xFFFFD800  }
0x17: {  	[tilespmem:s17], [sflag:$0x9] =	stream.linear.gather [hbm4b:s7+s4], $0x2800, $0x38;
	[tilespmem:$0x17000] =	vst v63  }
0x18: {  	_ =	swait.ge [sflag:s10], $0x2800  }
0x19: {  	[sflag:s10] =	ssyncset.done $0x0  }
0x1a: {  	[sflag:s10] =	ssyncadd.s32 $0xFFFFD800  }
0x1b: {  	[spmem:s13], [sflag:s12] =	dma.local [hbm:s5], $0x1400  }
0x1c: {  	_ =	swait.ge [sflag:s10], $0x1400  }
0x1d: {  	[sflag:s10] =	ssyncset.done $0x0  }
0x1e: {  	[sflag:s10] =	ssyncadd.s32 $0xFFFFEC00  }
0x1f: {  	[bflag:$0x0] =	sbarrier.arrive $0xFFFF  }
0x20: {  	[tilespmem:s15], [sflag:$0x1] =	stream.indirect.gather [hbm4b:s1+s14], $0x40, s4, s14, $0xb8;
	[tilespmem:$0x17000] =	vst v63  }
0x21: {  	_ = 	snop  }
0x22: {  	[tilespmem:s16], [sflag:$0x2] =	stream.indirect.gather [hbm4b:s1+s14], $0x40, s14, s14, $0xb8;
	[tilespmem:$0x17000] =	vst v63  }
0x23: {  	s30 =	simm.s32 $0x100  }
0x24: {  	[tilespmem:s18], [sflag:$0x3] =	stream.indirect.gather [hbm4b:s1+s14], $0x40, s30, s14, $0xb8;
	[tilespmem:$0x17000] =	vst v63  }
0x25: {  	s19 =	simm.s32 $0x180  }
0x26: {  	[tilespmem:s20], [sflag:$0x4] =	stream.indirect.gather [hbm4b:s1+s14], $0x40, s19, s14, $0xb8;
	[tilespmem:$0x17000] =	vst v63  }
0x27: {  	_ =	swait.ge [sflag:s21], $0x2000  }
0x28: {  	[sflag:s21] =	ssyncset.done $0x0  }
0x29: {  	s30 =	simm.s32 $0x2800;
	[sflag:s21] =	ssyncadd.s32 $0xFFFFE000  }
0x2a: {  	[spmem:s3] =	stream.indirect.scatter.add.bf16 [tilespmem:s15], [sflag:$0x5], $0x40, s30, s14, $0xb8;
	[tilespmem:$0x17000] =	vst v63  }
0x2b: {  	_ =	swait.ge [sflag:s22], $0x2000  }
0x2c: {  	[sflag:s22] =	ssyncset.done $0x0  }
0x2d: {  	s19 =	simm.s32 $0x2880;
	[sflag:s22] =	ssyncadd.s32 $0xFFFFE000  }
0x2e: {  	[spmem:s3] =	stream.indirect.scatter.add.bf16 [tilespmem:s16], [sflag:$0x6], $0x40, s19, s14, $0xb8;
	[tilespmem:$0x17000] =	vst v63  }
0x2f: {  	_ =	swait.ge [sflag:s23], $0x2000  }
0x30: {  	[sflag:s23] =	ssyncset.done $0x0  }
0x31: {  	s30 =	simm.s32 $0x2900;
	[sflag:s23] =	ssyncadd.s32 $0xFFFFE000  }
0x32: {  	[spmem:s3] =	stream.indirect.scatter.add.bf16 [tilespmem:s18], [sflag:$0x7], $0x40, s30, s14, $0xb8;
	[tilespmem:$0x17000] =	vst v63  }
0x33: {  	_ =	swait.ge [sflag:s24], $0x2000  }
0x34: {  	[sflag:s24] =	ssyncset.done $0x0  }
0x35: {  	s19 =	simm.s32 $0x2980;
	[sflag:s24] =	ssyncadd.s32 $0xFFFFE000  }
0x36: {  	[spmem:s3] =	stream.indirect.scatter.add.bf16 [tilespmem:s20], [sflag:$0x8], $0x40, s19, s14, $0xb8;
	[tilespmem:$0x17000] =	vst v63  }
0x37: {  	_ =	swait.ge [sflag:s25], $0x2000  }
0x38: {  	[sflag:s25] =	ssyncset.done $0x0  }
0x39: {  	s30 =	simm.s32 $0x200;
	[sflag:s25] =	ssyncadd.s32 $0xFFFFE000  }
0x3a: {  	[tilespmem:s15], [sflag:$0x1] =	stream.indirect.gather [hbm4b:s1+s14], $0x40, s30, s14, $0xb8;
	[tilespmem:$0x17000] =	vst v63  }
0x3b: {  	_ =	swait.ge [sflag:s26], $0x2000  }
0x3c: {  	[sflag:s26] =	ssyncset.done $0x0  }
0x3d: {  	s19 =	simm.s32 $0x280;
	[sflag:s26] =	ssyncadd.s32 $0xFFFFE000  }
0x3e: {  	[tilespmem:s16], [sflag:$0x2] =	stream.indirect.gather [hbm4b:s1+s14], $0x40, s19, s14, $0xb8;
	[tilespmem:$0x17000] =	vst v63  }
0x3f: {  	_ =	swait.ge [sflag:s28], $0x2000  }
0x40: {  	[sflag:s28] =	ssyncset.done $0x0  }
0x41: {  	s30 =	simm.s32 $0x300;
	[sflag:s28] =	ssyncadd.s32 $0xFFFFE000  }
0x42: {  	[tilespmem:s18], [sflag:$0x3] =	stream.indirect.gather [hbm4b:s1+s14], $0x40, s30, s14, $0xb8;
	[tilespmem:$0x17000] =	vst v63  }
0x43: {  	_ =	swait.ge [sflag:s29], $0x2000  }
0x44: {  	[sflag:s29] =	ssyncset.done $0x0  }
0x45: {  	s17 =	simm.s32 $0x800;
	s19 =	simm.s32 $0x380;
	[sflag:s29] =	ssyncadd.s32 $0xFFFFE000  }
.LBB2_2:
0x46: {  	[tilespmem:s20], [sflag:$0x4] =	stream.indirect.gather [hbm4b:s1+s14], $0x40, s19, s14, $0xb8;
	[tilespmem:$0x17000] =	vst v63  }
0x47: {  	s19 =	smov.u32 s17  }
0x48: {  	p0 =	sne.s32 s17, $0x9000;
	s17 =	sadd.s32 $0x800, s17;
	_ =	swait.ge [sflag:s21], $0x2000  }
0x49: {  	s19 =	sshra.s32 s19, $0x2;
	[sflag:s21] =	ssyncset.done $0x0  }
0x4a: {  	s30 =	sadd.s32 $0x2800, s19;
	[sflag:s21] =	ssyncadd.s32 $0xFFFFE000  }
0x4b: {  	[spmem:s3] =	stream.indirect.scatter.add.bf16 [tilespmem:s15], [sflag:$0x5], $0x40, s30, s14, $0xb8;
	[tilespmem:$0x17000] =	vst v63  }
0x4c: {  	_ =	swait.ge [sflag:s22], $0x2000  }
0x4d: {  	[sflag:s22] =	ssyncset.done $0x0  }
0x4e: {  	s30 =	sadd.s32 $0x2880, s19;
	[sflag:s22] =	ssyncadd.s32 $0xFFFFE000  }
0x4f: {  	[spmem:s3] =	stream.indirect.scatter.add.bf16 [tilespmem:s16], [sflag:$0x6], $0x40, s30, s14, $0xb8;
	[tilespmem:$0x17000] =	vst v63  }
0x50: {  	_ =	swait.ge [sflag:s23], $0x2000  }
0x51: {  	[sflag:s23] =	ssyncset.done $0x0  }
0x52: {  	s30 =	sadd.s32 $0x2900, s19;
	[sflag:s23] =	ssyncadd.s32 $0xFFFFE000  }
0x53: {  	[spmem:s3] =	stream.indirect.scatter.add.bf16 [tilespmem:s18], [sflag:$0x7], $0x40, s30, s14, $0xb8;
	[tilespmem:$0x17000] =	vst v63  }
0x54: {  	_ =	swait.ge [sflag:s24], $0x2000  }
0x55: {  	[sflag:s24] =	ssyncset.done $0x0  }
0x56: {  	s30 =	sadd.s32 $0x2980, s19;
	[sflag:s24] =	ssyncadd.s32 $0xFFFFE000  }
0x57: {  	[spmem:s3] =	stream.indirect.scatter.add.bf16 [tilespmem:s20], [sflag:$0x8], $0x40, s30, s14, $0xb8;
	[tilespmem:$0x17000] =	vst v63  }
0x58: {  	_ =	swait.ge [sflag:s25], $0x2000  }
0x59: {  	[sflag:s25] =	ssyncset.done $0x0  }
0x5a: {  	s30 =	sadd.s32 $0x200, s19;
	[sflag:s25] =	ssyncadd.s32 $0xFFFFE000  }
0x5b: {  	[tilespmem:s15], [sflag:$0x1] =	stream.indirect.gather [hbm4b:s1+s14], $0x40, s30, s14, $0xb8;
	[tilespmem:$0x17000] =	vst v63  }
0x5c: {  	_ =	swait.ge [sflag:s26], $0x2000  }
0x5d: {  	[sflag:s26] =	ssyncset.done $0x0  }
0x5e: {  	s30 =	sadd.s32 $0x280, s19;
	[sflag:s26] =	ssyncadd.s32 $0xFFFFE000  }
0x5f: {  	[tilespmem:s16], [sflag:$0x2] =	stream.indirect.gather [hbm4b:s1+s14], $0x40, s30, s14, $0xb8;
	[tilespmem:$0x17000] =	vst v63  }
0x60: {  	_ =	swait.ge [sflag:s28], $0x2000  }
0x61: {  	[sflag:s28] =	ssyncset.done $0x0  }
.Ltmp0:
0x62: {  	s30 =	sadd.s32 $0x300, s19;
	[sflag:s28] =	ssyncadd.s32 $0xFFFFE000;
	(pc) =	sbr.rel @p0 .LBB2_2-.Ltmp0, $4  }
0x63: {  	[tilespmem:s18], [sflag:$0x3] =	stream.indirect.gather [hbm4b:s1+s14], $0x40, s30, s14, $0xb8;
	[tilespmem:$0x17000] =	vst v63  }
0x64: {  	_ =	swait.ge [sflag:s29], $0x2000  }
0x65: {  	[sflag:s29] =	ssyncset.done $0x0  }
0x66: {  	s19 =	sadd.s32 $0x380, s19;
	[sflag:s29] =	ssyncadd.s32 $0xFFFFE000  }
0x67: {  	[tilespmem:s20], [sflag:$0x4] =	stream.indirect.gather [hbm4b:s1+s14], $0x40, s19, s14, $0xb8;
	[tilespmem:$0x17000] =	vst v63  }
0x68: {  	_ =	swait.ge [sflag:s21], $0x2000  }
0x69: {  	[sflag:s21] =	ssyncset.done $0x0  }
0x6a: {  	s17 =	simm.s32 $0x4E00;
	[sflag:s21] =	ssyncadd.s32 $0xFFFFE000  }
0x6b: {  	[spmem:s3] =	stream.indirect.scatter.add.bf16 [tilespmem:s15], [sflag:$0x5], $0x40, s17, s14, $0xb8;
	[tilespmem:$0x17000] =	vst v63  }
0x6c: {  	_ =	swait.ge [sflag:s22], $0x2000  }
0x6d: {  	[sflag:s22] =	ssyncset.done $0x0  }
0x6e: {  	[sflag:s22] =	ssyncadd.s32 $0xFFFFE000  }
0x6f: {  	[spmem:s3] =	stream.indirect.scatter.add.bf16 [tilespmem:s16], [sflag:$0x6], $0x40, s31, s14, $0xb8;
	[tilespmem:$0x17000] =	vst v63  }
0x70: {  	_ =	swait.ge [sflag:s23], $0x2000  }
0x71: {  	[sflag:s23] =	ssyncset.done $0x0  }
0x72: {  	[sflag:s23] =	ssyncadd.s32 $0xFFFFE000  }
0x73: {  	[spmem:s3] =	stream.indirect.scatter.add.bf16 [tilespmem:s18], [sflag:$0x7], $0x40, s2, s14, $0xb8;
	[tilespmem:$0x17000] =	vst v63  }
0x74: {  	_ =	swait.ge [sflag:s24], $0x2000  }
0x75: {  	[sflag:s24] =	ssyncset.done $0x0  }
0x76: {  	[sflag:s24] =	ssyncadd.s32 $0xFFFFE000  }
0x77: {  	[spmem:s3] =	stream.indirect.scatter.add.bf16 [tilespmem:s20], [sflag:$0x8], $0x40, s0, s14, $0xb8;
	[tilespmem:$0x17000] =	vst v63  }
0x78: {  	_ =	swait.ge [sflag:s25], $0x2000  }
0x79: {  	[sflag:s25] =	ssyncset.done $0x0  }
0x7a: {  	[sflag:s25] =	ssyncadd.s32 $0xFFFFE000  }
0x7b: {  	_ =	swait.ge [sflag:s26], $0x2000  }
0x7c: {  	[sflag:s26] =	ssyncset.done $0x0  }
0x7d: {  	[sflag:s26] =	ssyncadd.s32 $0xFFFFE000  }
0x7e: {  	_ =	swait.ge [sflag:s28], $0x2000  }
0x7f: {  	[sflag:s28] =	ssyncset.done $0x0  }
0x80: {  	[sflag:s28] =	ssyncadd.s32 $0xFFFFE000  }
0x81: {  	_ =	swait.ge [sflag:s29], $0x2000  }
0x82: {  	s11 =	sadd.s32 $0x1, s11;
	[sflag:s29] =	ssyncset.done $0x0  }
0x83: {  	p0 =	sne.s32 s11, s9;
	[sflag:s29] =	ssyncadd.s32 $0xFFFFE000  }
.Ltmp1:
0x84: {  	[bflag:$0x0] =	sbarrier.arrive $0xFFFF;
	(pc) =	sbr.rel @p0 .LBB2_1-.Ltmp1, $4  }
0x85: {  	[hbm:s8], [sflag:s12] =	dma.local [spmem:s13], $0x1400  }
0x86: {  	_ =	swait.ge [sflag:s10], $0x1400  }
0x87: {  	[sflag:s10] =	ssyncset.done $0x0  }
0x88: {  	[sflag:s10] =	ssyncadd.s32 $0xFFFFEC00  }
0x89: {  	_ =	sfence.sel $0x180000  }
0x8a: {  	[bflag:$0x0] =	sbarrier.arrive $0xFFFF  }
0x8b: {  	_ =	strace $0x9000004D  }
0x8c: {  	s0 =	stileid.u32;
	[bflag:$0x2] =	sbarrier.arrive $0xFFFF  }
0x8d: {  	p0 =	sne.s32 s0, $0x0;
	s0 =	rddreg [dreg:$0x3]  }
0x8e: {  	s0 =	sadd.s32 @!p0 $0x100000, s0  }
0x8f: {  	[sflag:s0] =	ssyncadd.tile.s32 @!p0 $0x1;
	_ =	shalt  }
.Lfunc_end2:
_tile_overlayer_lowered:
.L_overlay_start_2:
0x90: {  	(tag) =	ssettag $0x2  }
0x91: {  	s0 =	rddreg [dreg:$0x0];
	s2 =	stileid.u32  }
0x92: {  	s1 =	rddreg [dreg:$0x1];
	p0 =	sne.s32 s2, $0x0  }
0x93: {  	s3 =	rddreg [dreg:$0x2];
	[bflag:$0x3] =	sbarrier.arrive $0xFFFF;
	s2 =	simm.s32 @!p0 $0x1C09  }
0x94: {  	[timem:s3], [sflag:s2] =	dma.local @!p0 [hbm:s0], s1  }
0x95: {  	s0 =	simm.s32 @!p0 $0x9  }
0x96: {  	_ =	swait.ge @!p0 [sflag:s0], s1  }
0x97: {  	s1 =	ssub.s32 @!p0 $0x0, s1;
	[sflag:s0] =	ssyncset.done @!p0 $0x0  }
0x98: {  	[sflag:s0] =	ssyncadd.s32 @!p0 s1  }
0x99: {  	[bflag:$0x3] =	sbarrier.arrive $0xFFFF  }
0x9a: {  	_ =	shalt  }

// kernel: kernel.8.cloned.1.call-start
scs
__scs_entry_jumppad:
0x0: {  	(pc) =	sbr.rel $0x88, $3  }
0x1: {  	(tag) =	ssettag $0x0;
	lr =	simm.s32 $0x1  }
0x2: {  	[smem:$0x3F9B] =	sst lr;
	_ =	strace $0xD0000000  }
0x3: {  	_ = 	snop  }
0x4: {  	_ = 	snop  }
0x5: {  	_ = 	snop  }
0x6: {  	_ = 	snop  }
0x7: {  	_ = 	snop  }
__scs_overlays_trampoline_lowered:
0x8: {  	[smem:$0x3FAA] =	sst s0  }
0x9: {  	[smem:$0x3FAB] =	sst s1  }
0xa: {  	[smem:$0x3FAC] =	sst s2  }
0xb: {  	[smem:$0x3FAD] =	sst s3  }
0xc: {  	[smem:$0x3FAE] =	sst s4  }
0xd: {  	[smem:$0x3FAF] =	sst s5  }
0xe: {  	[smem:$0x3FB0] =	sst s6  }
0xf: {  	[smem:$0x3FB1] =	sst s7  }
0x10: {  	[smem:$0x3FB2] =	sst s8  }
0x11: {  	[smem:$0x3FB3] =	sst s9;
	s0 =	simm.s32 @!p0 $0x0  }
0x12: {  	s1 =	sld [smem:$0x3F99];
	s0 =	simm.s32 @p0 $0x1  }
0x13: {  	[smem:$0x3FB4] =	sst s0;
	s0 =	simm.s32 @!p1 $0x0  }
0x14: {  	s2 =	sld [smem:$0x3F98];
	s0 =	simm.s32 @p1 $0x1  }
0x15: {  	[smem:$0x3FB5] =	sst s0;
	s0 =	simm.s32 @!p2 $0x0  }
0x16: {  	s3 =	sld [smem:$0x3FDB];
	s0 =	simm.s32 @p2 $0x1  }
0x17: {  	s4 =	simm.s32 $0x1BF5;
	[smem:$0x3FB7] =	sst s0  }
0x18: {  	s0 =	sld [smem:$0x3F9A];
	_ =	swait.ge [sflag:s4], $0x0  }
0x19: {  	s7 =	sld [smem:$0x3F9B]  }
0x1a: {  	s8 =	sadd.s32 $0xFFFFE003, lr  }
0x1b: {  	s9 =	sadd.s32 $0xFFFFFEF7, lr;
	s5 =	simm.s32 $0xFFFFFFFF;
	p2 =	slt.u32 s8, $0xFFFFF086  }
0x1c: {  	p1 =	slt.u32 s9, $0xF7A;
	s5 =	simm.s32 @!p2 $0x0  }
0x1d: {  	s5 =	simm.s32 @p1 $0x1;
	p0 =	seq.s32 s7, s2  }
0x1e: {  	s7 =	smul.u32 @!p0 $0xF7A, s2;
	p2 =	seq.s32 @!p0 s5, $0x0  }
0x1f: {  	s9 =	smul.u32 $0xF7A, s1;
	s8 =	simm.s32 @!p0 $0x1BF5;
	p2 =	por !p2, p0  }
0x20: {  	[sflag:s8] =	ssyncset.s32 @!p0 $0xFFFFF086;
	s6 =	sadd.s32 @!p0 s3, s7;
	s7 =	simm.s32 @!p0 $0x108  }
0x21: {  	s3 =	sadd.s32 s3, s9;
	s6 =	sadd.s32 @!p0 $0x88, s6;
	s7 =	simm.s32 @p2 $0x1082  }
0x22: {  	[simem:s7], [sflag:s8] =	dma.local @!p0 [hbm:s6], $0xF7A  }
0x23: {  	s9 =	sor.u32 $0xD0000000, s2;
	s6 =	simm.s32 $0x108;
	_ =	swait.ge @!p0 [sflag:s8], $0x0  }
0x24: {  	s3 =	sadd.s32 $0x88, s3;
	s6 =	simm.s32 @!p1 $0x1082;
	[sflag:s4] =	ssyncset.s32 $0xFFFFF086  }
0x25: {  	[simem:s6], [sflag:s4] =	dma.local [hbm:s3], $0xF7A  }
0x26: {  	[smem:$0x3F9B] =	sst s1;
	(tag) =	ssettag s2;
	_ =	strace s9  }
0x27: {  	s1 =	sld [smem:$0x3FAB]  }
0x28: {  	s2 =	sld [smem:$0x3FAC]  }
0x29: {  	s4 =	sld [smem:$0x3FAE]  }
0x2a: {  	p0 =	seq.s32 s5, $0x0;
	s5 =	sld [smem:$0x3FAF]  }
0x2b: {  	s6 =	sld [smem:$0x3FB0]  }
0x2c: {  	s7 =	sld [smem:$0x3FB1]  }
0x2d: {  	s3 =	simm.s32 $0x108;
	s8 =	sld [smem:$0x3FB2]  }
0x2e: {  	s3 =	simm.s32 @!p0 $0x1082;
	s9 =	sld [smem:$0x3FB3]  }
0x2f: {  	lr =	sadd.s32 s0, s3;
	s0 =	sld [smem:$0x3FAA]  }
0x30: {  	s3 =	sld [smem:$0x3FAD]  }
0x31: {  	[smem:$0x3FB6] =	sst s10  }
0x32: {  	s10 =	sld [smem:$0x3FB4];
	_ =	sdelay $0x3  }
0x33: {  	p0 =	seq.s32 s10, $0x1;
	s10 =	sld [smem:$0x3FB6];
	_ =	sdelay $0x3  }
0x34: {  	[smem:$0x3FB6] =	sst s10  }
0x35: {  	s10 =	sld [smem:$0x3FB5];
	_ =	sdelay $0x3  }
0x36: {  	p1 =	seq.s32 s10, $0x1;
	s10 =	sld [smem:$0x3FB6];
	_ =	sdelay $0x3  }
0x37: {  	[smem:$0x3FB6] =	sst s10  }
0x38: {  	s10 =	sld [smem:$0x3FB7]  }
0x39: {  	_ = 	snop;
	(pc) =	sbr.ind lr, $3  }
0x3a: {  	_ = 	snop  }
0x3b: {  	_ = 	snop  }
0x3c: {  	p2 =	seq.s32 s10, $0x1;
	s10 =	sld [smem:$0x3FB6]  }
0x3d: {  	_ =	shalt  }
0x3e: {  	_ =	shalt  }
0x3f: {  	_ =	shalt  }
0x40: {  	_ =	shalt  }
0x41: {  	_ =	shalt  }
0x42: {  	_ =	shalt  }
0x43: {  	_ =	shalt  }
0x44: {  	_ =	shalt  }
0x45: {  	_ =	shalt  }
0x46: {  	_ =	shalt  }
0x47: {  	_ =	shalt  }
0x48: {  	_ =	shalt  }
0x49: {  	_ =	shalt  }
0x4a: {  	_ =	shalt  }
0x4b: {  	_ =	shalt  }
0x4c: {  	_ =	shalt  }
0x4d: {  	_ =	shalt  }
0x4e: {  	_ =	shalt  }
0x4f: {  	_ =	shalt  }
0x50: {  	_ =	shalt  }
0x51: {  	_ =	shalt  }
0x52: {  	_ =	shalt  }
0x53: {  	_ =	shalt  }
0x54: {  	_ =	shalt  }
0x55: {  	_ =	shalt  }
0x56: {  	_ =	shalt  }
0x57: {  	_ =	shalt  }
0x58: {  	_ =	shalt  }
0x59: {  	_ =	shalt  }
0x5a: {  	_ =	shalt  }
0x5b: {  	_ =	shalt  }
0x5c: {  	_ =	shalt  }
0x5d: {  	_ =	shalt  }
0x5e: {  	_ =	shalt  }
0x5f: {  	_ =	shalt  }
0x60: {  	_ =	shalt  }
0x61: {  	_ =	shalt  }
0x62: {  	_ =	shalt  }
0x63: {  	_ =	shalt  }
0x64: {  	_ =	shalt  }
0x65: {  	_ =	shalt  }
0x66: {  	_ =	shalt  }
0x67: {  	_ =	shalt  }
0x68: {  	_ =	shalt  }
0x69: {  	_ =	shalt  }
0x6a: {  	_ =	shalt  }
0x6b: {  	_ =	shalt  }
0x6c: {  	_ =	shalt  }
0x6d: {  	_ =	shalt  }
0x6e: {  	_ =	shalt  }
0x6f: {  	_ =	shalt  }
0x70: {  	_ =	shalt  }
0x71: {  	_ =	shalt  }
0x72: {  	_ =	shalt  }
0x73: {  	_ =	shalt  }
0x74: {  	_ =	shalt  }
0x75: {  	_ =	shalt  }
0x76: {  	_ =	shalt  }
0x77: {  	_ =	shalt  }
0x78: {  	_ =	shalt  }
0x79: {  	_ =	shalt  }
0x7a: {  	_ =	shalt  }
0x7b: {  	_ =	shalt  }
0x7c: {  	_ =	shalt  }
0x7d: {  	_ =	shalt  }
0x7e: {  	_ =	shalt  }
0x7f: {  	_ =	shalt  }
0x80: {  	_ =	shalt  }
0x81: {  	_ =	shalt  }
0x82: {  	_ =	shalt  }
0x83: {  	_ =	shalt  }
0x84: {  	_ =	shalt  }
0x85: {  	_ =	shalt  }
0x86: {  	_ =	shalt  }
0x87: {  	_ =	shalt  }
.Lfunc_end0:
.L_simem_size_0:
called_computation_lowered:
.L_overlay_start_0:
0x88: {  	s2 =	sld [smem:$0x3FD9]  }
0x89: {  	s3 =	sld [smem:$0x3FFE];
	_ =	sdelay $0x1  }
0x8a: {  	s1 =	srdreg.scid  }
0x8b: {  	s0 =	sand.u32 $0x1, s1  }
0x8c: {  	s17 =	sshll.u32 s0, $0xA;
	s2 =	sadd.s32 s3, s2  }
0x8d: {  	s2 =	sadd.s32 s2, s17  }
0x8e: {  	[smem:$0x3FC2] =	sst s2  }
0x8f: {  	_ = 	snop  }
0x90: {  	s2 =	sld [smem:$0x3FD0];
	(tm) =	ssettm $0x1  }
0x91: {  	s18 =	sld [smem:$0x3FFB];
	_ =	sdelay $0x3  }
0x92: {  	_ =	strace s18  }
0x93: {  	s3 =	sld [smem:$0x3FFC];
	_ =	sdelay $0x3  }
0x94: {  	_ =	strace s3  }
0x95: {  	s3 =	sld [smem:$0x3FFD];
	_ =	sdelay $0x3  }
0x96: {  	_ =	strace s3  }
0x97: {  	_ =	strace $0x8FFFFFFF  }
0x98: {  	s19 =	sld [smem:$0x3FDB];
	_ =	sdelay $0x1  }
0x99: {  	s4 =	simm.s32 $_scs_section_size  }
0x9a: {  	s5 =	simm.s32 $_size__tile_overlayer_lowered;
	s6 =	simm.s32 $_tile_overlayer_lowered  }
0x9b: {  	s22 =	simm.s32 $0x1BFF;
	s21 =	sshll.u32 s6, $0x1;
	s3 =	sadd.s32 s4, s19  }
0x9c: {  	s7 =	simm.s32 $0x0;
	s20 =	sshll.u32 s5, $0x1;
	s5 =	sadd.s32 s21, s3  }
0x9d: {  	[timem:s7], [sflag:s22] =	dma.local [hbm:s5], s20  }
0x9e: {  	_ =	swait.ge [sflag:s22], s20  }
0x9f: {  	s4 =	ssub.s32 $0x0, s20;
	[sflag:s22] =	ssyncset.done $0x0  }
0xa0: {  	[sflag:s22] =	ssyncadd.s32 s4;
	_ =	sdelay $0x1  }
0xa1: {  	s23 =	simm.s32 $0x1B8B  }
0xa2: {  	_ =	swait.ge [sflag:s23], $0x1  }
0xa3: {  	[sflag:s23] =	ssyncset.done $0x0  }
0xa4: {  	s25 =	simm.s32 $0x1B8E;
	s24 =	sld [smem:$0x3FFE];
	[sflag:s23] =	ssyncadd.s32 $0xFFFFFFFF  }
0xa5: {  	s26 =	simm.s32 $execute0_lowered;
	[smem:$0x3FD2] =	sst s25  }
0xa6: {  	s5 =	sshll.u32 s26, $0x1;
	_ =	strace $0x80000046;
	[dreg:$0x1] =	wrdreg $0xFFFFFFFF  }
0xa7: {  	s28 =	simm.s32 $_size_execute0_lowered;
	s3 =	sadd.s32 s3, s5;
	[dreg:$0x0] =	wrdreg $0x0  }
0xa8: {  	s5 =	sshll.u32 s28, $0x1;
	[dreg:$0x2] =	wrdreg s3  }
0xa9: {  	[dreg:$0x3] =	wrdreg s5  }
0xaa: {  	[dreg:$0x4] =	wrdreg $0xC0  }
0xab: {  	_ =	task [dreg:s7], $0x5FFFF  }
0xac: {  	[dreg:$0x1] =	wrdreg $0xFFFFFFFF  }
0xad: {  	[dreg:$0x0] =	wrdreg $0x60  }
0xae: {  	[dreg:$0x2] =	wrdreg s24  }
0xaf: {  	[dreg:$0x3] =	wrdreg s2  }
0xb0: {  	[dreg:$0x4] =	wrdreg $0x30000  }
0xb1: {  	[dreg:$0x5] =	wrdreg $0x9  }
0xb2: {  	_ =	task.clear_ibuf [dreg:s7], $0x6FFFF;
	_ =	strace $0x90000046  }
0xb3: {  	s29 =	simm.s32 $0x9;
	_ =	strace $0x80000048  }
0xb4: {  	_ =	swait.ge [sflag:s29], $0x1  }
0xb5: {  	[sflag:s29] =	ssyncadd.s32 $0xFFFFFFFF  }
0xb6: {  	_ =	strace $0x90000048  }
0xb7: {  	_ =	sfence  }
0xb8: {  	s30 =	sld [smem:$0x0];
	_ =	sdelay $0x2  }
0xb9: {  	s31 =	sshll.u32 s1, $0xD;
	s1 =	sshrl.u32 s1, $0x2  }
0xba: {  	s3 =	sand.u32 $0x4000, s31;
	s1 =	sadd.s32 s1, s30  }
0xbb: {  	s0 =	sor.u32 s3, s0;
	s1 =	sshll.u32 s1, $0x11  }
0xbc: {  	s0 =	sor.u32 s1, s0  }
0xbd: {  	s0 =	sadd.s32 $0x8F2B, s0  }
0xbe: {  	[sflag:s0] =	ssyncadd.remote.s32 $0x1  }
0xbf: {  	_ =	sfence.sel $0xFFFF  }
0xc0: {  	[dreg:$0x0] =	wrdreg $0xFFFFFFFF;
	(pc) =	sbr.abs _section_cstart, $3  }
0xc1: {  	[dreg:$0x1] =	wrdreg $0xFFFFFFFF  }
0xc2: {  	_ =	task.clear_ibuf [dreg:s7], $0x2FFFF;
	_ =	strace $0x9FFFFFFF  }
0xc3: {  	(tm) =	ssettm $0x7FFFFFFF  }
tec
execute0_lowered:
.L_overlay_start_1:
0x0: {  	(tag) =	ssettag $0x1  }
0x1: {  	s5 =	rddreg [dreg:$0x0]  }
0x2: {  	s7 =	rddreg [dreg:$0x1]  }
0x3: {  	s0 =	srdreg.scid;
	s2 =	rddreg [dreg:$0x2]  }
0x4: {  	s1 =	rddreg [dreg:$0x3];
	s3 =	simm.s32 $0x0;
	s4 =	sand.u32 $0x1, s0  }
0x5: {  	s13 =	simm.s32 $0x80;
	s0 =	stileid.u32;
	s6 =	smul.u32 $0x28000, s4  }
0x6: {  	s14 =	simm.s32 $0x0;
	[smem:$0x7FF] =	sst s3;
	s8 =	smul.u32 $0x2800, s0  }
0x7: {  	_ =	strace $0x80000047;
	s10 =	ssub.s32 $0x2, s4;
	s4 =	sadd.s32 $0xB400, s5  }
0x8: {  	s31 =	sshll.u32 s0, $0x6;
	s11 =	sshrl.u32 s10, $0x1;
	s6 =	sadd.s32 s8, s6  }
0x9: {  	s10 =	ssub.s32 s10, s11;
	s12 =	sadd.s32 s8, s2;
	s11 =	sor.u32 $0x1C01, s31  }
0xa: {  	s9 =	sshrl.u32 s6, $0x3;
	s8 =	smax.u32 s10, $0x1;
	s10 =	simm.s32 $0x2800  }
0xb: {  	s12 =	sshrl.u32 s12, $0x3;
	s6 =	sadd.s32 s9, s5;
	s5 =	sadd.s32 $0xB600, s5  }
0xc: {  	s7 =	sadd.s32 s7, s9;
	s9 =	simm.s32 $0x1;
	s6 =	sadd.s32 $0x1400, s6  }
.LBB2_1:
0xd: {  	[tilespmem:s3], [sflag:$0x1] =	stream.linear.gather [hbm4b:s6+s3], $0x2800, $0x38;
	[tilespmem:$0x5800] =	vst v63  }
0xe: {  	_ =	swait.ge [sflag:s9], $0x2800  }
0xf: {  	[sflag:s9] =	ssyncset.done $0x0  }
0x10: {  	[sflag:s9] =	ssyncadd.s32 $0xFFFFD800  }
0x11: {  	[tilespmem:s10], [sflag:$0x1] =	stream.linear.gather [hbm4b:s4+s3], $0x800, $0x38;
	[tilespmem:$0x5800] =	vst v63  }
0x12: {  	_ =	swait.ge [sflag:s9], $0x800  }
0x13: {  	[sflag:s9] =	ssyncset.done $0x0  }
0x14: {  	[sflag:s9] =	ssyncadd.s32 $0xFFFFF800  }
0x15: {  	[spmem:s12], [sflag:s11] =	dma.local [hbm:s5], $0x500  }
0x16: {  	_ =	swait.ge [sflag:s9], $0x500  }
0x17: {  	[sflag:s9] =	ssyncset.done $0x0  }
0x18: {  	[sflag:s9] =	ssyncadd.s32 $0xFFFFFB00  }
0x19: {  	s15 =	simm.s32 $0x0;
	[bflag:$0x0] =	sbarrier.arrive $0xFFFF  }
0x1a: {  	[spmem:s2] =	stream.indirect.scatter.add.f32 [tilespmem:s10], [sflag:$0x1], $0x10, s15, s13, $0xb8;
	[tilespmem:$0x5800] =	vst v63  }
0x1b: {  	_ =	swait.ge [sflag:s9], $0x800  }
0x1c: {  	s15 =	simm.s32 $0x200;
	[sflag:s9] =	ssyncset.done $0x0  }
.LBB2_2:
0x1d: {  	s16 =	sshra.s32 s15, $0x2;
	[sflag:s9] =	ssyncadd.s32 $0xFFFFF800;
	p0 =	sne.s32 s15, $0x9E00  }
0x1e: {  	[spmem:s2] =	stream.indirect.scatter.add.f32 [tilespmem:s10], [sflag:$0x1], $0x10, s16, s13, $0xb8;
	[tilespmem:$0x5800] =	vst v63  }
.Ltmp0:
0x1f: {  	_ = 	snop;
	(pc) =	sbr.rel @p0 .LBB2_2-.Ltmp0, $4  }
0x20: {  	_ = 	snop  }
0x21: {  	s15 =	sadd.s32 $0x200, s15  }
0x22: {  	_ =	swait.ge [sflag:s9], $0x800  }
0x23: {  	[sflag:s9] =	ssyncset.done $0x0  }
0x24: {  	s14 =	sadd.s32 $0x1, s14  }
0x25: {  	[sflag:s9] =	ssyncadd.s32 $0xFFFFF800;
	p0 =	sne.s32 s14, s8  }
.Ltmp1:
0x26: {  	[bflag:$0x0] =	sbarrier.arrive $0xFFFF;
	(pc) =	sbr.rel @p0 .LBB2_1-.Ltmp1, $4  }
0x27: {  	[hbm:s7], [sflag:s11] =	dma.local [spmem:s12], $0x500  }
0x28: {  	_ =	swait.ge [sflag:s9], $0x500  }
0x29: {  	[sflag:s9] =	ssyncset.done $0x0  }
0x2a: {  	[sflag:s9] =	ssyncadd.s32 $0xFFFFFB00  }
0x2b: {  	_ =	sfence.sel $0x180000  }
0x2c: {  	[bflag:$0x0] =	sbarrier.arrive $0xFFFF  }
0x2d: {  	p0 =	sne.s32 s0, $0x0;
	_ =	strace $0x90000047  }
0x2e: {  	s0 =	sadd.s32 @!p0 $0x100000, s1;
	[bflag:$0x2] =	sbarrier.arrive $0xFFFF  }
0x2f: {  	[sflag:s0] =	ssyncadd.tile.s32 @!p0 $0x1;
	_ =	shalt  }
.Lfunc_end2:
_tile_overlayer_lowered:
.L_overlay_start_2:
0x30: {  	(tag) =	ssettag $0x2  }
0x31: {  	s0 =	rddreg [dreg:$0x0];
	s2 =	stileid.u32  }
0x32: {  	s1 =	rddreg [dreg:$0x1];
	p0 =	sne.s32 s2, $0x0  }
0x33: {  	s3 =	rddreg [dreg:$0x2];
	[bflag:$0x3] =	sbarrier.arrive $0xFFFF;
	s2 =	simm.s32 @!p0 $0x1C01  }
0x34: {  	[timem:s3], [sflag:s2] =	dma.local @!p0 [hbm:s0], s1  }
0x35: {  	s0 =	simm.s32 @!p0 $0x1  }
0x36: {  	_ =	swait.ge @!p0 [sflag:s0], s1  }
0x37: {  	s1 =	ssub.s32 @!p0 $0x0, s1;
	[sflag:s0] =	ssyncset.done @!p0 $0x0  }
0x38: {  	[sflag:s0] =	ssyncadd.s32 @!p0 s1  }
0x39: {  	[bflag:$0x3] =	sbarrier.arrive $0xFFFF  }
0x3a: {  	_ =	shalt  }

</sc_bundles>
